<compile_context>
chip_gen: v7x
topology: tpu7x:2x2x1
jax: 0.10.2.dev20260603
libtpu: 0.0.44.dev20260713+nightly
codegen_flags: <defaults>
</compile_context>

<pallas_src>
import functools

import jax
import jax.numpy as jnp
from jax import lax
from jax.experimental import pallas as pl
from jax.experimental.pallas import tpu as pltpu
from jax.experimental.pallas import tpu_sc as plsc

NC, NS = 2, 16
NW = NC * NS
BATCH = 16384
HIST = 50
D = 32
PB = BATCH // NW
NBT = PB // 128
FT = D // 8
TT = HIST // 2

_mesh = plsc.VectorSubcoreMesh(core_axis_name="c", subcore_axis_name="s")


@functools.partial(
    pl.kernel,
    out_type=jax.ShapeDtypeStruct((HIST, FT, BATCH // 128, 8, 128), jnp.float32),
    mesh=_mesh,
    scratch_types=[
        pltpu.VMEM((HIST, PB), jnp.int32),
        [pltpu.VMEM((NBT, 128, D), jnp.float32) for _ in range(2)],
        [pltpu.VMEM((FT, NBT, 8, 129), jnp.float32) for _ in range(2)],
        [pltpu.SemaphoreType.DMA for _ in range(2)],
        [pltpu.SemaphoreType.DMA for _ in range(2)],
    ],
    compiler_params=pltpu.CompilerParams(
        use_tc_tiling_on_sc=False, needs_layout_passes=False
    ),
)
def _lookup(idx_hbm, table_hbm, out_hbm, idx_v, gbufs, wbufs, gsems, wsems):
    wid = lax.axis_index("s") * NC + lax.axis_index("c")
    b0 = wid * PB
    bt0 = wid * NBT
    pltpu.sync_copy(idx_hbm.at[:, pl.ds(b0, PB)], idx_v)

    def gather_cps(h, slot):
        return [
            pltpu.make_async_copy(
                table_hbm.at[idx_v.at[h, pl.ds(bt * 128, 128)]],
                gbufs[slot].at[bt],
                gsems[slot],
            )
            for bt in range(NBT)
        ]

    def write_cps(h, slot):
        return [
            pltpu.make_async_copy(
                wbufs[slot].at[ft, :, :, pl.ds(0, 128)],
                out_hbm.at[h, ft, pl.ds(bt0, NBT)],
                wsems[slot],
            )
            for ft in range(FT)
        ]

    def start_all(cps):
        for cp in cps:
            cp.start()

    def wait_all(cps):
        for cp in cps:
            cp.wait()

    lane = lax.iota(jnp.int32, 16)
    ft_lo = lax.shift_right_logical(lane, 3)
    f8_id = lax.bitwise_and(lane, 7)
    bt_ids = [jnp.full((16,), bt, jnp.int32) for bt in range(NBT)]
    ft_his = ft_lo + 2
    zeros = jnp.zeros((16,), jnp.int32)

    def transpose(slot):
        def b_body(bi, carry):
            for b4 in range(4):
                b = bi * 4 + b4
                bv = zeros + b
                for bt in range(NBT):
                    lo = gbufs[slot][bt, b, pl.ds(0, 16)]
                    hi = gbufs[slot][bt, b, pl.ds(16, 16)]
                    plsc.store_scatter(
                        wbufs[slot], [ft_lo, bt_ids[bt], f8_id, bv], lo
                    )
                    plsc.store_scatter(
                        wbufs[slot], [ft_his, bt_ids[bt], f8_id, bv], hi
                    )
            return carry
        lax.fori_loop(0, 32, b_body, 0)

    start_all(gather_cps(0, 0))

    def t_body(t, carry):
        for p in range(2):
            h = 2 * t + p
            slot, other = p, 1 - p

            if p == 0:
                start_all(gather_cps(h + 1, other))
            else:
                pl.when(t < TT - 1)(
                    lambda: start_all(gather_cps(h + 1, other))
                )
            wait_all(gather_cps(h, slot))
            pl.when(t > 0)(lambda: wait_all(write_cps(h - 2, slot)))
            transpose(slot)
            start_all(write_cps(h, slot))
        return carry

    lax.fori_loop(0, TT, t_body, 0)

    wait_all(write_cps(HIST - 2, 0))
    wait_all(write_cps(HIST - 1, 1))


def kernel(indices, table):
    idx_t = indices.astype(jnp.int32).T
    out5 = _lookup(idx_t, table)
    out = out5.transpose(2, 4, 0, 1, 3)
    return out.reshape(BATCH, HIST, D)

# --- scband reference (transcript-rebuilt; emitter-appended) ---
"""Pipeline reference for scband-lookup-70196945486104 (READ-ONLY COPY).

The authoritative reference and input builder live on the scoring server;
editing this copy changes nothing except your own understanding.
"""

import jax, jax.numpy as jnp
import numpy as np

NUM_EMBEDDINGS = 1000000
EMBED_DIM = 32
BATCH = 16384
HIST = 50


def setup_inputs(seed: int = 0) -> dict:
    key = jax.random.key(seed)
    k_idx, k_tab = jax.random.split(key)
    indices = jax.random.randint(k_idx, (BATCH, HIST), 0, NUM_EMBEDDINGS, dtype=jnp.int64 if jax.config.jax_enable_x64 else jnp.int32)
    table = jax.random.normal(k_tab, (NUM_EMBEDDINGS, EMBED_DIM), dtype=jnp.float32) * 0.02
    return {"indices": indices, "table": table}


def reference(indices, table):
    # Faithful embedding lookup: gather rows of the embedding table by index.
    # Equivalent to tf.nn.embedding_lookup(table, indices).
    out = jnp.take(table, indices, axis=0)
    return out

if __name__ == "__main__":
    import jax
    _d = setup_inputs()
    print(jax.jit(kernel)(*tuple(_d.values())))

</pallas_src>

<mosaic_0001>
#map = affine_map<(d0, d1) -> (0, 0)>
#map1 = affine_map<(d0, d1) -> (0, 0, 0, 0, 0)>
module attributes {stable_mosaic.version = 14 : i64} {
  func.func @_lookup(%arg0: i32, %arg1: i32, %arg2: memref<50x16384xi32, #tpu.memory_space<hbm>>, %arg3: memref<1000000x32xf32, #tpu.memory_space<hbm>>, %arg4: memref<50x4x128x8x128xf32, #tpu.memory_space<hbm>>, %arg5: memref<50x512xi32, #tpu.memory_space<vmem>>, %arg6: memref<4x128x32xf32, #tpu.memory_space<vmem>>, %arg7: memref<4x128x32xf32, #tpu.memory_space<vmem>>, %arg8: memref<4x4x8x129xf32, #tpu.memory_space<vmem>>, %arg9: memref<4x4x8x129xf32, #tpu.memory_space<vmem>>, %arg10: memref<!tpu.dma_semaphore, #tpu.memory_space<semaphore_mem>>, %arg11: memref<!tpu.dma_semaphore, #tpu.memory_space<semaphore_mem>>, %arg12: memref<!tpu.dma_semaphore, #tpu.memory_space<semaphore_mem>>, %arg13: memref<!tpu.dma_semaphore, #tpu.memory_space<semaphore_mem>>) attributes {dimension_semantics = [#tpu.dimension_semantics<core_parallel>, #tpu.dimension_semantics<subcore_parallel>], iteration_bounds = array<i64: 2, 16>, scalar_prefetch = 0 : i64, scratch_operands = 9 : i64, tpu.core_type = #tpu.core_type<sc_vector_subcore>, window_params = [{transform_indices = #map}, {transform_indices = #map}, {transform_indices = #map1}]} {
    %mul3A = arith.constant 2 : i32
    %mul3A_0 = arith.muli %arg1, %mul3A : i32
    %add3A = arith.addi %mul3A_0, %arg0 : i32
    %mul3A_1 = arith.constant 512 : i32
    %mul3A_2 = arith.muli %add3A, %mul3A_1 : i32
    %mul3A_3 = arith.constant 4 : i32
    %mul3A_4 = arith.muli %add3A, %mul3A_3 : i32
    "tpu.region"() ({
      %run_scoped3A = tpu.sem_alloc : memref<!tpu.dma_semaphore, #tpu.memory_space<semaphore_mem>>
      %dma_start3A_240 = arith.constant 0 : i32
      %dma_start3A_241 = tpu.memref_slice %arg2[%dma_start3A_240, %mul3A_2] : memref<50x16384xi32, #tpu.memory_space<hbm>> -> memref<50x512xi32, #tpu.memory_space<hbm>>
      %dma_start3A_242 = arith.constant 0 : i32
      %dma_start3A_243 = tpu.memref_slice %arg2[%dma_start3A_242, %mul3A_2] : memref<50x16384xi32, #tpu.memory_space<hbm>> -> memref<50x512xi32, #tpu.memory_space<hbm>>
      tpu.enqueue_dma source(%dma_start3A_243 : memref<50x512xi32, #tpu.memory_space<hbm>>) target(%arg5 : memref<50x512xi32, #tpu.memory_space<vmem>>) target_semaphore(%run_scoped3A : memref<!tpu.dma_semaphore, #tpu.memory_space<semaphore_mem>>)
      %dma_wait3A_244 = arith.constant 0 : i32
      %dma_wait3A_245 = tpu.memref_slice %arg2[%dma_wait3A_244, %mul3A_2] : memref<50x16384xi32, #tpu.memory_space<hbm>> -> memref<50x512xi32, #tpu.memory_space<hbm>>
      %dma_wait3A_246 = arith.constant 0 : i32
      %dma_wait3A_247 = tpu.memref_slice %arg2[%dma_wait3A_246, %mul3A_2] : memref<50x16384xi32, #tpu.memory_space<hbm>> -> memref<50x512xi32, #tpu.memory_space<hbm>>
      tpu.wait_dma2 semaphore(%run_scoped3A : memref<!tpu.dma_semaphore, #tpu.memory_space<semaphore_mem>>) src(%dma_wait3A_247 : memref<50x512xi32, #tpu.memory_space<hbm>>) dst(%arg5 : memref<50x512xi32, #tpu.memory_space<vmem>>)
      tpu.yield
    }) : () -> ()
    %iota3A = tpu.iota {dimensions = array<i32: 0>} : vector<16xi32>
    %shift_right_logical3A = arith.constant 3 : i32
    %shift_right_logical3A_5 = vector.broadcast %shift_right_logical3A : i32 to vector<16xi32>
    %shift_right_logical3A_6 = arith.shrui %iota3A, %shift_right_logical3A_5 : vector<16xi32>
    %and3A = arith.constant 7 : i32
    %and3A_7 = vector.broadcast %and3A : i32 to vector<16xi32>
    %and3A_8 = arith.andi %iota3A, %and3A_7 : vector<16xi32>
    %broadcast_in_dim3A = arith.constant 0 : i32
    %broadcast_in_dim3A_9 = vector.broadcast %broadcast_in_dim3A : i32 to vector<16xi32>
    %broadcast_in_dim3A_10 = arith.constant 1 : i32
    %broadcast_in_dim3A_11 = vector.broadcast %broadcast_in_dim3A_10 : i32 to vector<16xi32>
    %broadcast_in_dim3A_12 = arith.constant 2 : i32
    %broadcast_in_dim3A_13 = vector.broadcast %broadcast_in_dim3A_12 : i32 to vector<16xi32>
    %broadcast_in_dim3A_14 = arith.constant 3 : i32
    %broadcast_in_dim3A_15 = vector.broadcast %broadcast_in_dim3A_14 : i32 to vector<16xi32>
    %add3A_16 = arith.constant 2 : i32
    %add3A_17 = vector.broadcast %add3A_16 : i32 to vector<16xi32>
    %add3A_18 = arith.addi %shift_right_logical3A_6, %add3A_17 : vector<16xi32>
    %broadcast_in_dim3A_19 = arith.constant 0 : i32
    %broadcast_in_dim3A_20 = vector.broadcast %broadcast_in_dim3A_19 : i32 to vector<16xi32>
    %dma_start3A = arith.constant 0 : i32
    %dma_start3A_21 = arith.constant 0 : i32
    %dma_start3A_22 = arith.constant 0 : i32
    %dma_start3A_23 = arith.constant 0 : i32
    %dma_start3A_24 = tpu.memref_slice %arg6[%dma_start3A_21, %dma_start3A_22, %dma_start3A_23] : memref<4x128x32xf32, #tpu.memory_space<vmem>> -> memref<1x128x32xf32, #tpu.memory_space<vmem>>
    %dma_start3A_25 = tpu.memref_squeeze %dma_start3A_24 : memref<1x128x32xf32, #tpu.memory_space<vmem>> -> memref<128x32xf32, #tpu.memory_space<vmem>>
    %dma_start3A_26 = arith.constant 0 : i32
    %dma_start3A_27 = tpu.memref_slice %arg5[%dma_start3A, %dma_start3A_26] : memref<50x512xi32, #tpu.memory_space<vmem>> -> memref<1x128xi32, #tpu.memory_space<vmem>>
    %dma_start3A_28 = tpu.memref_squeeze %dma_start3A_27 : memref<1x128xi32, #tpu.memory_space<vmem>> -> memref<128xi32, #tpu.memory_space<vmem>>
    %dma_start3A_29 = arith.constant 0 : i32
    %dma_start3A_30 = arith.constant 0 : i32
    %dma_start3A_31 = tpu.memref_slice %arg3[%dma_start3A_29, %dma_start3A_30] : memref<1000000x32xf32, #tpu.memory_space<hbm>> -> memref<1000000x32xf32, #tpu.memory_space<hbm>>
    tpu.enqueue_indirect_dma source(%dma_start3A_31 : memref<1000000x32xf32, #tpu.memory_space<hbm>>) target(%dma_start3A_25 : memref<128x32xf32, #tpu.memory_space<vmem>>) offsets(%dma_start3A_28 : memref<128xi32, #tpu.memory_space<vmem>>) semaphore(%arg10 : memref<!tpu.dma_semaphore, #tpu.memory_space<semaphore_mem>>)
    %dma_start3A_32 = arith.constant 0 : i32
    %dma_start3A_33 = arith.constant 1 : i32
    %dma_start3A_34 = arith.constant 0 : i32
    %dma_start3A_35 = arith.constant 0 : i32
    %dma_start3A_36 = tpu.memref_slice %arg6[%dma_start3A_33, %dma_start3A_34, %dma_start3A_35] : memref<4x128x32xf32, #tpu.memory_space<vmem>> -> memref<1x128x32xf32, #tpu.memory_space<vmem>>
    %dma_start3A_37 = tpu.memref_squeeze %dma_start3A_36 : memref<1x128x32xf32, #tpu.memory_space<vmem>> -> memref<128x32xf32, #tpu.memory_space<vmem>>
    %dma_start3A_38 = arith.constant 128 : i32
    %dma_start3A_39 = tpu.memref_slice %arg5[%dma_start3A_32, %dma_start3A_38] : memref<50x512xi32, #tpu.memory_space<vmem>> -> memref<1x128xi32, #tpu.memory_space<vmem>>
    %dma_start3A_40 = tpu.memref_squeeze %dma_start3A_39 : memref<1x128xi32, #tpu.memory_space<vmem>> -> memref<128xi32, #tpu.memory_space<vmem>>
    %dma_start3A_41 = arith.constant 0 : i32
    %dma_start3A_42 = arith.constant 0 : i32
    %dma_start3A_43 = tpu.memref_slice %arg3[%dma_start3A_41, %dma_start3A_42] : memref<1000000x32xf32, #tpu.memory_space<hbm>> -> memref<1000000x32xf32, #tpu.memory_space<hbm>>
    tpu.enqueue_indirect_dma source(%dma_start3A_43 : memref<1000000x32xf32, #tpu.memory_space<hbm>>) target(%dma_start3A_37 : memref<128x32xf32, #tpu.memory_space<vmem>>) offsets(%dma_start3A_40 : memref<128xi32, #tpu.memory_space<vmem>>) semaphore(%arg10 : memref<!tpu.dma_semaphore, #tpu.memory_space<semaphore_mem>>)
    %dma_start3A_44 = arith.constant 0 : i32
    %dma_start3A_45 = arith.constant 2 : i32
    %dma_start3A_46 = arith.constant 0 : i32
    %dma_start3A_47 = arith.constant 0 : i32
    %dma_start3A_48 = tpu.memref_slice %arg6[%dma_start3A_45, %dma_start3A_46, %dma_start3A_47] : memref<4x128x32xf32, #tpu.memory_space<vmem>> -> memref<1x128x32xf32, #tpu.memory_space<vmem>>
    %dma_start3A_49 = tpu.memref_squeeze %dma_start3A_48 : memref<1x128x32xf32, #tpu.memory_space<vmem>> -> memref<128x32xf32, #tpu.memory_space<vmem>>
    %dma_start3A_50 = arith.constant 256 : i32
    %dma_start3A_51 = tpu.memref_slice %arg5[%dma_start3A_44, %dma_start3A_50] : memref<50x512xi32, #tpu.memory_space<vmem>> -> memref<1x128xi32, #tpu.memory_space<vmem>>
    %dma_start3A_52 = tpu.memref_squeeze %dma_start3A_51 : memref<1x128xi32, #tpu.memory_space<vmem>> -> memref<128xi32, #tpu.memory_space<vmem>>
    %dma_start3A_53 = arith.constant 0 : i32
    %dma_start3A_54 = arith.constant 0 : i32
    %dma_start3A_55 = tpu.memref_slice %arg3[%dma_start3A_53, %dma_start3A_54] : memref<1000000x32xf32, #tpu.memory_space<hbm>> -> memref<1000000x32xf32, #tpu.memory_space<hbm>>
    tpu.enqueue_indirect_dma source(%dma_start3A_55 : memref<1000000x32xf32, #tpu.memory_space<hbm>>) target(%dma_start3A_49 : memref<128x32xf32, #tpu.memory_space<vmem>>) offsets(%dma_start3A_52 : memref<128xi32, #tpu.memory_space<vmem>>) semaphore(%arg10 : memref<!tpu.dma_semaphore, #tpu.memory_space<semaphore_mem>>)
    %dma_start3A_56 = arith.constant 0 : i32
    %dma_start3A_57 = arith.constant 3 : i32
    %dma_start3A_58 = arith.constant 0 : i32
    %dma_start3A_59 = arith.constant 0 : i32
    %dma_start3A_60 = tpu.memref_slice %arg6[%dma_start3A_57, %dma_start3A_58, %dma_start3A_59] : memref<4x128x32xf32, #tpu.memory_space<vmem>> -> memref<1x128x32xf32, #tpu.memory_space<vmem>>
    %dma_start3A_61 = tpu.memref_squeeze %dma_start3A_60 : memref<1x128x32xf32, #tpu.memory_space<vmem>> -> memref<128x32xf32, #tpu.memory_space<vmem>>
    %dma_start3A_62 = arith.constant 384 : i32
    %dma_start3A_63 = tpu.memref_slice %arg5[%dma_start3A_56, %dma_start3A_62] : memref<50x512xi32, #tpu.memory_space<vmem>> -> memref<1x128xi32, #tpu.memory_space<vmem>>
    %dma_start3A_64 = tpu.memref_squeeze %dma_start3A_63 : memref<1x128xi32, #tpu.memory_space<vmem>> -> memref<128xi32, #tpu.memory_space<vmem>>
    %dma_start3A_65 = arith.constant 0 : i32
    %dma_start3A_66 = arith.constant 0 : i32
    %dma_start3A_67 = tpu.memref_slice %arg3[%dma_start3A_65, %dma_start3A_66] : memref<1000000x32xf32, #tpu.memory_space<hbm>> -> memref<1000000x32xf32, #tpu.memory_space<hbm>>
    tpu.enqueue_indirect_dma source(%dma_start3A_67 : memref<1000000x32xf32, #tpu.memory_space<hbm>>) target(%dma_start3A_61 : memref<128x32xf32, #tpu.memory_space<vmem>>) offsets(%dma_start3A_64 : memref<128xi32, #tpu.memory_space<vmem>>) semaphore(%arg10 : memref<!tpu.dma_semaphore, #tpu.memory_space<semaphore_mem>>)
    %scan3A = arith.constant 0 : i32
    %scan3A_68 = arith.constant 0 : i32
    %scan3A_69 = arith.constant 25 : i32
    %scan3A_70 = arith.addi %scan3A_68, %scan3A_69 : i32
    %scan3A_71 = arith.constant 1 : i32
    scf.for %scan3A_240 = %scan3A_68 to %scan3A_70 step %scan3A_71  : i32 {
      %mul3A_241 = arith.constant 2 : i32
      %mul3A_242 = arith.muli %mul3A_241, %scan3A_240 : i32
      %add3A_243 = arith.constant 0 : i32
      %add3A_244 = arith.addi %mul3A_242, %add3A_243 : i32
      %add3A_245 = arith.constant 1 : i32
      %add3A_246 = arith.addi %add3A_244, %add3A_245 : i32
      %dma_start3A_247 = arith.constant 0 : i32
      %dma_start3A_248 = arith.constant 0 : i32
      %dma_start3A_249 = arith.constant 0 : i32
      %dma_start3A_250 = tpu.memref_slice %arg7[%dma_start3A_247, %dma_start3A_248, %dma_start3A_249] : memref<4x128x32xf32, #tpu.memory_space<vmem>> -> memref<1x128x32xf32, #tpu.memory_space<vmem>>
      %dma_start3A_251 = tpu.memref_squeeze %dma_start3A_250 : memref<1x128x32xf32, #tpu.memory_space<vmem>> -> memref<128x32xf32, #tpu.memory_space<vmem>>
      %dma_start3A_252 = arith.constant 0 : i32
      %dma_start3A_253 = tpu.memref_slice %arg5[%add3A_246, %dma_start3A_252] : memref<50x512xi32, #tpu.memory_space<vmem>> -> memref<1x128xi32, #tpu.memory_space<vmem>>
      %dma_start3A_254 = tpu.memref_squeeze %dma_start3A_253 : memref<1x128xi32, #tpu.memory_space<vmem>> -> memref<128xi32, #tpu.memory_space<vmem>>
      %dma_start3A_255 = arith.constant 0 : i32
      %dma_start3A_256 = arith.constant 0 : i32
      %dma_start3A_257 = tpu.memref_slice %arg3[%dma_start3A_255, %dma_start3A_256] : memref<1000000x32xf32, #tpu.memory_space<hbm>> -> memref<1000000x32xf32, #tpu.memory_space<hbm>>
      tpu.enqueue_indirect_dma source(%dma_start3A_257 : memref<1000000x32xf32, #tpu.memory_space<hbm>>) target(%dma_start3A_251 : memref<128x32xf32, #tpu.memory_space<vmem>>) offsets(%dma_start3A_254 : memref<128xi32, #tpu.memory_space<vmem>>) semaphore(%arg11 : memref<!tpu.dma_semaphore, #tpu.memory_space<semaphore_mem>>)
      %dma_start3A_258 = arith.constant 1 : i32
      %dma_start3A_259 = arith.constant 0 : i32
      %dma_start3A_260 = arith.constant 0 : i32
      %dma_start3A_261 = tpu.memref_slice %arg7[%dma_start3A_258, %dma_start3A_259, %dma_start3A_260] : memref<4x128x32xf32, #tpu.memory_space<vmem>> -> memref<1x128x32xf32, #tpu.memory_space<vmem>>
      %dma_start3A_262 = tpu.memref_squeeze %dma_start3A_261 : memref<1x128x32xf32, #tpu.memory_space<vmem>> -> memref<128x32xf32, #tpu.memory_space<vmem>>
      %dma_start3A_263 = arith.constant 128 : i32
      %dma_start3A_264 = tpu.memref_slice %arg5[%add3A_246, %dma_start3A_263] : memref<50x512xi32, #tpu.memory_space<vmem>> -> memref<1x128xi32, #tpu.memory_space<vmem>>
      %dma_start3A_265 = tpu.memref_squeeze %dma_start3A_264 : memref<1x128xi32, #tpu.memory_space<vmem>> -> memref<128xi32, #tpu.memory_space<vmem>>
      %dma_start3A_266 = arith.constant 0 : i32
      %dma_start3A_267 = arith.constant 0 : i32
      %dma_start3A_268 = tpu.memref_slice %arg3[%dma_start3A_266, %dma_start3A_267] : memref<1000000x32xf32, #tpu.memory_space<hbm>> -> memref<1000000x32xf32, #tpu.memory_space<hbm>>
      tpu.enqueue_indirect_dma source(%dma_start3A_268 : memref<1000000x32xf32, #tpu.memory_space<hbm>>) target(%dma_start3A_262 : memref<128x32xf32, #tpu.memory_space<vmem>>) offsets(%dma_start3A_265 : memref<128xi32, #tpu.memory_space<vmem>>) semaphore(%arg11 : memref<!tpu.dma_semaphore, #tpu.memory_space<semaphore_mem>>)
      %dma_start3A_269 = arith.constant 2 : i32
      %dma_start3A_270 = arith.constant 0 : i32
      %dma_start3A_271 = arith.constant 0 : i32
      %dma_start3A_272 = tpu.memref_slice %arg7[%dma_start3A_269, %dma_start3A_270, %dma_start3A_271] : memref<4x128x32xf32, #tpu.memory_space<vmem>> -> memref<1x128x32xf32, #tpu.memory_space<vmem>>
      %dma_start3A_273 = tpu.memref_squeeze %dma_start3A_272 : memref<1x128x32xf32, #tpu.memory_space<vmem>> -> memref<128x32xf32, #tpu.memory_space<vmem>>
      %dma_start3A_274 = arith.constant 256 : i32
      %dma_start3A_275 = tpu.memref_slice %arg5[%add3A_246, %dma_start3A_274] : memref<50x512xi32, #tpu.memory_space<vmem>> -> memref<1x128xi32, #tpu.memory_space<vmem>>
      %dma_start3A_276 = tpu.memref_squeeze %dma_start3A_275 : memref<1x128xi32, #tpu.memory_space<vmem>> -> memref<128xi32, #tpu.memory_space<vmem>>
      %dma_start3A_277 = arith.constant 0 : i32
      %dma_start3A_278 = arith.constant 0 : i32
      %dma_start3A_279 = tpu.memref_slice %arg3[%dma_start3A_277, %dma_start3A_278] : memref<1000000x32xf32, #tpu.memory_space<hbm>> -> memref<1000000x32xf32, #tpu.memory_space<hbm>>
      tpu.enqueue_indirect_dma source(%dma_start3A_279 : memref<1000000x32xf32, #tpu.memory_space<hbm>>) target(%dma_start3A_273 : memref<128x32xf32, #tpu.memory_space<vmem>>) offsets(%dma_start3A_276 : memref<128xi32, #tpu.memory_space<vmem>>) semaphore(%arg11 : memref<!tpu.dma_semaphore, #tpu.memory_space<semaphore_mem>>)
      %dma_start3A_280 = arith.constant 3 : i32
      %dma_start3A_281 = arith.constant 0 : i32
      %dma_start3A_282 = arith.constant 0 : i32
      %dma_start3A_283 = tpu.memref_slice %arg7[%dma_start3A_280, %dma_start3A_281, %dma_start3A_282] : memref<4x128x32xf32, #tpu.memory_space<vmem>> -> memref<1x128x32xf32, #tpu.memory_space<vmem>>
      %dma_start3A_284 = tpu.memref_squeeze %dma_start3A_283 : memref<1x128x32xf32, #tpu.memory_space<vmem>> -> memref<128x32xf32, #tpu.memory_space<vmem>>
      %dma_start3A_285 = arith.constant 384 : i32
      %dma_start3A_286 = tpu.memref_slice %arg5[%add3A_246, %dma_start3A_285] : memref<50x512xi32, #tpu.memory_space<vmem>> -> memref<1x128xi32, #tpu.memory_space<vmem>>
      %dma_start3A_287 = tpu.memref_squeeze %dma_start3A_286 : memref<1x128xi32, #tpu.memory_space<vmem>> -> memref<128xi32, #tpu.memory_space<vmem>>
      %dma_start3A_288 = arith.constant 0 : i32
      %dma_start3A_289 = arith.constant 0 : i32
      %dma_start3A_290 = tpu.memref_slice %arg3[%dma_start3A_288, %dma_start3A_289] : memref<1000000x32xf32, #tpu.memory_space<hbm>> -> memref<1000000x32xf32, #tpu.memory_space<hbm>>
      tpu.enqueue_indirect_dma source(%dma_start3A_290 : memref<1000000x32xf32, #tpu.memory_space<hbm>>) target(%dma_start3A_284 : memref<128x32xf32, #tpu.memory_space<vmem>>) offsets(%dma_start3A_287 : memref<128xi32, #tpu.memory_space<vmem>>) semaphore(%arg11 : memref<!tpu.dma_semaphore, #tpu.memory_space<semaphore_mem>>)
      %dma_wait3A_291 = arith.constant 0 : i32
      %dma_wait3A_292 = arith.constant 0 : i32
      %dma_wait3A_293 = arith.constant 0 : i32
      %dma_wait3A_294 = tpu.memref_slice %arg6[%dma_wait3A_291, %dma_wait3A_292, %dma_wait3A_293] : memref<4x128x32xf32, #tpu.memory_space<vmem>> -> memref<1x128x32xf32, #tpu.memory_space<vmem>>
      %dma_wait3A_295 = tpu.memref_squeeze %dma_wait3A_294 : memref<1x128x32xf32, #tpu.memory_space<vmem>> -> memref<128x32xf32, #tpu.memory_space<vmem>>
      %dma_wait3A_296 = arith.constant 0 : i32
      %dma_wait3A_297 = tpu.memref_slice %arg5[%add3A_244, %dma_wait3A_296] : memref<50x512xi32, #tpu.memory_space<vmem>> -> memref<1x128xi32, #tpu.memory_space<vmem>>
      %dma_wait3A_298 = tpu.memref_squeeze %dma_wait3A_297 : memref<1x128xi32, #tpu.memory_space<vmem>> -> memref<128xi32, #tpu.memory_space<vmem>>
      %dma_wait3A_299 = arith.constant 0 : i32
      %dma_wait3A_300 = arith.constant 0 : i32
      %dma_wait3A_301 = tpu.memref_slice %arg3[%dma_wait3A_299, %dma_wait3A_300] : memref<1000000x32xf32, #tpu.memory_space<hbm>> -> memref<1000000x32xf32, #tpu.memory_space<hbm>>
      tpu.wait_indirect_dma semaphore(%arg10 : memref<!tpu.dma_semaphore, #tpu.memory_space<semaphore_mem>>) src(%dma_wait3A_301 : memref<1000000x32xf32, #tpu.memory_space<hbm>>) dst(%dma_wait3A_295 : memref<128x32xf32, #tpu.memory_space<vmem>>)
      %dma_wait3A_302 = arith.constant 1 : i32
      %dma_wait3A_303 = arith.constant 0 : i32
      %dma_wait3A_304 = arith.constant 0 : i32
      %dma_wait3A_305 = tpu.memref_slice %arg6[%dma_wait3A_302, %dma_wait3A_303, %dma_wait3A_304] : memref<4x128x32xf32, #tpu.memory_space<vmem>> -> memref<1x128x32xf32, #tpu.memory_space<vmem>>
      %dma_wait3A_306 = tpu.memref_squeeze %dma_wait3A_305 : memref<1x128x32xf32, #tpu.memory_space<vmem>> -> memref<128x32xf32, #tpu.memory_space<vmem>>
      %dma_wait3A_307 = arith.constant 128 : i32
      %dma_wait3A_308 = tpu.memref_slice %arg5[%add3A_244, %dma_wait3A_307] : memref<50x512xi32, #tpu.memory_space<vmem>> -> memref<1x128xi32, #tpu.memory_space<vmem>>
      %dma_wait3A_309 = tpu.memref_squeeze %dma_wait3A_308 : memref<1x128xi32, #tpu.memory_space<vmem>> -> memref<128xi32, #tpu.memory_space<vmem>>
      %dma_wait3A_310 = arith.constant 0 : i32
      %dma_wait3A_311 = arith.constant 0 : i32
      %dma_wait3A_312 = tpu.memref_slice %arg3[%dma_wait3A_310, %dma_wait3A_311] : memref<1000000x32xf32, #tpu.memory_space<hbm>> -> memref<1000000x32xf32, #tpu.memory_space<hbm>>
      tpu.wait_indirect_dma semaphore(%arg10 : memref<!tpu.dma_semaphore, #tpu.memory_space<semaphore_mem>>) src(%dma_wait3A_312 : memref<1000000x32xf32, #tpu.memory_space<hbm>>) dst(%dma_wait3A_306 : memref<128x32xf32, #tpu.memory_space<vmem>>)
      %dma_wait3A_313 = arith.constant 2 : i32
      %dma_wait3A_314 = arith.constant 0 : i32
      %dma_wait3A_315 = arith.constant 0 : i32
      %dma_wait3A_316 = tpu.memref_slice %arg6[%dma_wait3A_313, %dma_wait3A_314, %dma_wait3A_315] : memref<4x128x32xf32, #tpu.memory_space<vmem>> -> memref<1x128x32xf32, #tpu.memory_space<vmem>>
      %dma_wait3A_317 = tpu.memref_squeeze %dma_wait3A_316 : memref<1x128x32xf32, #tpu.memory_space<vmem>> -> memref<128x32xf32, #tpu.memory_space<vmem>>
      %dma_wait3A_318 = arith.constant 256 : i32
      %dma_wait3A_319 = tpu.memref_slice %arg5[%add3A_244, %dma_wait3A_318] : memref<50x512xi32, #tpu.memory_space<vmem>> -> memref<1x128xi32, #tpu.memory_space<vmem>>
      %dma_wait3A_320 = tpu.memref_squeeze %dma_wait3A_319 : memref<1x128xi32, #tpu.memory_space<vmem>> -> memref<128xi32, #tpu.memory_space<vmem>>
      %dma_wait3A_321 = arith.constant 0 : i32
      %dma_wait3A_322 = arith.constant 0 : i32
      %dma_wait3A_323 = tpu.memref_slice %arg3[%dma_wait3A_321, %dma_wait3A_322] : memref<1000000x32xf32, #tpu.memory_space<hbm>> -> memref<1000000x32xf32, #tpu.memory_space<hbm>>
      tpu.wait_indirect_dma semaphore(%arg10 : memref<!tpu.dma_semaphore, #tpu.memory_space<semaphore_mem>>) src(%dma_wait3A_323 : memref<1000000x32xf32, #tpu.memory_space<hbm>>) dst(%dma_wait3A_317 : memref<128x32xf32, #tpu.memory_space<vmem>>)
      %dma_wait3A_324 = arith.constant 3 : i32
      %dma_wait3A_325 = arith.constant 0 : i32
      %dma_wait3A_326 = arith.constant 0 : i32
      %dma_wait3A_327 = tpu.memref_slice %arg6[%dma_wait3A_324, %dma_wait3A_325, %dma_wait3A_326] : memref<4x128x32xf32, #tpu.memory_space<vmem>> -> memref<1x128x32xf32, #tpu.memory_space<vmem>>
      %dma_wait3A_328 = tpu.memref_squeeze %dma_wait3A_327 : memref<1x128x32xf32, #tpu.memory_space<vmem>> -> memref<128x32xf32, #tpu.memory_space<vmem>>
      %dma_wait3A_329 = arith.constant 384 : i32
      %dma_wait3A_330 = tpu.memref_slice %arg5[%add3A_244, %dma_wait3A_329] : memref<50x512xi32, #tpu.memory_space<vmem>> -> memref<1x128xi32, #tpu.memory_space<vmem>>
      %dma_wait3A_331 = tpu.memref_squeeze %dma_wait3A_330 : memref<1x128xi32, #tpu.memory_space<vmem>> -> memref<128xi32, #tpu.memory_space<vmem>>
      %dma_wait3A_332 = arith.constant 0 : i32
      %dma_wait3A_333 = arith.constant 0 : i32
      %dma_wait3A_334 = tpu.memref_slice %arg3[%dma_wait3A_332, %dma_wait3A_333] : memref<1000000x32xf32, #tpu.memory_space<hbm>> -> memref<1000000x32xf32, #tpu.memory_space<hbm>>
      tpu.wait_indirect_dma semaphore(%arg10 : memref<!tpu.dma_semaphore, #tpu.memory_space<semaphore_mem>>) src(%dma_wait3A_334 : memref<1000000x32xf32, #tpu.memory_space<hbm>>) dst(%dma_wait3A_328 : memref<128x32xf32, #tpu.memory_space<vmem>>)
      %gt3A = arith.constant 0 : i32
      %gt3A_335 = arith.cmpi sgt, %scan3A_240, %gt3A : i32
      %convert_element_type3A = arith.extui %gt3A_335 : i1 to i32
      %cond3A = arith.constant 0 : i32
      %cond3A_336 = arith.cmpi ne, %convert_element_type3A, %cond3A : i32
      scf.if %cond3A_336 {
        %sub3A = arith.constant 2 : i32
        %sub3A_566 = arith.subi %add3A_244, %sub3A : i32
        %dma_wait3A_567 = arith.constant 0 : i32
        %dma_wait3A_568 = arith.constant 0 : i32
        %dma_wait3A_569 = arith.constant 0 : i32
        %dma_wait3A_570 = arith.constant 0 : i32
        %dma_wait3A_571 = arith.constant 0 : i32
        %dma_wait3A_572 = tpu.memref_slice %arg8[%dma_wait3A_567, %dma_wait3A_569, %dma_wait3A_570, %dma_wait3A_571] : memref<4x4x8x129xf32, #tpu.memory_space<vmem>> -> memref<1x4x8x128xf32, #tpu.memory_space<vmem>>
        %dma_wait3A_573 = tpu.memref_squeeze %dma_wait3A_572 : memref<1x4x8x128xf32, #tpu.memory_space<vmem>> -> memref<4x8x128xf32, #tpu.memory_space<vmem>>
        %dma_wait3A_574 = arith.constant 0 : i32
        %dma_wait3A_575 = arith.constant 0 : i32
        %dma_wait3A_576 = tpu.memref_slice %arg4[%sub3A_566, %dma_wait3A_568, %mul3A_4, %dma_wait3A_574, %dma_wait3A_575] : memref<50x4x128x8x128xf32, #tpu.memory_space<hbm>> -> memref<1x1x4x8x128xf32, #tpu.memory_space<hbm>>
        %dma_wait3A_577 = tpu.memref_squeeze %dma_wait3A_576 : memref<1x1x4x8x128xf32, #tpu.memory_space<hbm>> -> memref<4x8x128xf32, #tpu.memory_space<hbm>>
        %dma_wait3A_578 = arith.constant 0 : i32
        %dma_wait3A_579 = arith.constant 0 : i32
        %dma_wait3A_580 = tpu.memref_slice %arg4[%sub3A_566, %dma_wait3A_568, %mul3A_4, %dma_wait3A_578, %dma_wait3A_579] : memref<50x4x128x8x128xf32, #tpu.memory_space<hbm>> -> memref<1x1x4x8x128xf32, #tpu.memory_space<hbm>>
        %dma_wait3A_581 = tpu.memref_squeeze %dma_wait3A_580 : memref<1x1x4x8x128xf32, #tpu.memory_space<hbm>> -> memref<4x8x128xf32, #tpu.memory_space<hbm>>
        %dma_wait3A_582 = arith.constant 0 : i32
        %dma_wait3A_583 = arith.constant 0 : i32
        %dma_wait3A_584 = arith.constant 0 : i32
        %dma_wait3A_585 = tpu.memref_slice %arg8[%dma_wait3A_567, %dma_wait3A_582, %dma_wait3A_583, %dma_wait3A_584] : memref<4x4x8x129xf32, #tpu.memory_space<vmem>> -> memref<1x4x8x128xf32, #tpu.memory_space<vmem>>
        %dma_wait3A_586 = tpu.memref_squeeze %dma_wait3A_585 : memref<1x4x8x128xf32, #tpu.memory_space<vmem>> -> memref<4x8x128xf32, #tpu.memory_space<vmem>>
        tpu.wait_dma2 semaphore(%arg12 : memref<!tpu.dma_semaphore, #tpu.memory_space<semaphore_mem>>) src(%dma_wait3A_586 : memref<4x8x128xf32, #tpu.memory_space<vmem>>) dst(%dma_wait3A_581 : memref<4x8x128xf32, #tpu.memory_space<hbm>>)
        %dma_wait3A_587 = arith.constant 1 : i32
        %dma_wait3A_588 = arith.constant 1 : i32
        %dma_wait3A_589 = arith.constant 0 : i32
        %dma_wait3A_590 = arith.constant 0 : i32
        %dma_wait3A_591 = arith.constant 0 : i32
        %dma_wait3A_592 = tpu.memref_slice %arg8[%dma_wait3A_587, %dma_wait3A_589, %dma_wait3A_590, %dma_wait3A_591] : memref<4x4x8x129xf32, #tpu.memory_space<vmem>> -> memref<1x4x8x128xf32, #tpu.memory_space<vmem>>
        %dma_wait3A_593 = tpu.memref_squeeze %dma_wait3A_592 : memref<1x4x8x128xf32, #tpu.memory_space<vmem>> -> memref<4x8x128xf32, #tpu.memory_space<vmem>>
        %dma_wait3A_594 = arith.constant 0 : i32
        %dma_wait3A_595 = arith.constant 0 : i32
        %dma_wait3A_596 = tpu.memref_slice %arg4[%sub3A_566, %dma_wait3A_588, %mul3A_4, %dma_wait3A_594, %dma_wait3A_595] : memref<50x4x128x8x128xf32, #tpu.memory_space<hbm>> -> memref<1x1x4x8x128xf32, #tpu.memory_space<hbm>>
        %dma_wait3A_597 = tpu.memref_squeeze %dma_wait3A_596 : memref<1x1x4x8x128xf32, #tpu.memory_space<hbm>> -> memref<4x8x128xf32, #tpu.memory_space<hbm>>
        %dma_wait3A_598 = arith.constant 0 : i32
        %dma_wait3A_599 = arith.constant 0 : i32
        %dma_wait3A_600 = tpu.memref_slice %arg4[%sub3A_566, %dma_wait3A_588, %mul3A_4, %dma_wait3A_598, %dma_wait3A_599] : memref<50x4x128x8x128xf32, #tpu.memory_space<hbm>> -> memref<1x1x4x8x128xf32, #tpu.memory_space<hbm>>
        %dma_wait3A_601 = tpu.memref_squeeze %dma_wait3A_600 : memref<1x1x4x8x128xf32, #tpu.memory_space<hbm>> -> memref<4x8x128xf32, #tpu.memory_space<hbm>>
        %dma_wait3A_602 = arith.constant 0 : i32
        %dma_wait3A_603 = arith.constant 0 : i32
        %dma_wait3A_604 = arith.constant 0 : i32
        %dma_wait3A_605 = tpu.memref_slice %arg8[%dma_wait3A_587, %dma_wait3A_602, %dma_wait3A_603, %dma_wait3A_604] : memref<4x4x8x129xf32, #tpu.memory_space<vmem>> -> memref<1x4x8x128xf32, #tpu.memory_space<vmem>>
        %dma_wait3A_606 = tpu.memref_squeeze %dma_wait3A_605 : memref<1x4x8x128xf32, #tpu.memory_space<vmem>> -> memref<4x8x128xf32, #tpu.memory_space<vmem>>
        tpu.wait_dma2 semaphore(%arg12 : memref<!tpu.dma_semaphore, #tpu.memory_space<semaphore_mem>>) src(%dma_wait3A_606 : memref<4x8x128xf32, #tpu.memory_space<vmem>>) dst(%dma_wait3A_601 : memref<4x8x128xf32, #tpu.memory_space<hbm>>)
        %dma_wait3A_607 = arith.constant 2 : i32
        %dma_wait3A_608 = arith.constant 2 : i32
        %dma_wait3A_609 = arith.constant 0 : i32
        %dma_wait3A_610 = arith.constant 0 : i32
        %dma_wait3A_611 = arith.constant 0 : i32
        %dma_wait3A_612 = tpu.memref_slice %arg8[%dma_wait3A_607, %dma_wait3A_609, %dma_wait3A_610, %dma_wait3A_611] : memref<4x4x8x129xf32, #tpu.memory_space<vmem>> -> memref<1x4x8x128xf32, #tpu.memory_space<vmem>>
        %dma_wait3A_613 = tpu.memref_squeeze %dma_wait3A_612 : memref<1x4x8x128xf32, #tpu.memory_space<vmem>> -> memref<4x8x128xf32, #tpu.memory_space<vmem>>
        %dma_wait3A_614 = arith.constant 0 : i32
        %dma_wait3A_615 = arith.constant 0 : i32
        %dma_wait3A_616 = tpu.memref_slice %arg4[%sub3A_566, %dma_wait3A_608, %mul3A_4, %dma_wait3A_614, %dma_wait3A_615] : memref<50x4x128x8x128xf32, #tpu.memory_space<hbm>> -> memref<1x1x4x8x128xf32, #tpu.memory_space<hbm>>
        %dma_wait3A_617 = tpu.memref_squeeze %dma_wait3A_616 : memref<1x1x4x8x128xf32, #tpu.memory_space<hbm>> -> memref<4x8x128xf32, #tpu.memory_space<hbm>>
        %dma_wait3A_618 = arith.constant 0 : i32
        %dma_wait3A_619 = arith.constant 0 : i32
        %dma_wait3A_620 = tpu.memref_slice %arg4[%sub3A_566, %dma_wait3A_608, %mul3A_4, %dma_wait3A_618, %dma_wait3A_619] : memref<50x4x128x8x128xf32, #tpu.memory_space<hbm>> -> memref<1x1x4x8x128xf32, #tpu.memory_space<hbm>>
        %dma_wait3A_621 = tpu.memref_squeeze %dma_wait3A_620 : memref<1x1x4x8x128xf32, #tpu.memory_space<hbm>> -> memref<4x8x128xf32, #tpu.memory_space<hbm>>
        %dma_wait3A_622 = arith.constant 0 : i32
        %dma_wait3A_623 = arith.constant 0 : i32
        %dma_wait3A_624 = arith.constant 0 : i32
        %dma_wait3A_625 = tpu.memref_slice %arg8[%dma_wait3A_607, %dma_wait3A_622, %dma_wait3A_623, %dma_wait3A_624] : memref<4x4x8x129xf32, #tpu.memory_space<vmem>> -> memref<1x4x8x128xf32, #tpu.memory_space<vmem>>
        %dma_wait3A_626 = tpu.memref_squeeze %dma_wait3A_625 : memref<1x4x8x128xf32, #tpu.memory_space<vmem>> -> memref<4x8x128xf32, #tpu.memory_space<vmem>>
        tpu.wait_dma2 semaphore(%arg12 : memref<!tpu.dma_semaphore, #tpu.memory_space<semaphore_mem>>) src(%dma_wait3A_626 : memref<4x8x128xf32, #tpu.memory_space<vmem>>) dst(%dma_wait3A_621 : memref<4x8x128xf32, #tpu.memory_space<hbm>>)
        %dma_wait3A_627 = arith.constant 3 : i32
        %dma_wait3A_628 = arith.constant 3 : i32
        %dma_wait3A_629 = arith.constant 0 : i32
        %dma_wait3A_630 = arith.constant 0 : i32
        %dma_wait3A_631 = arith.constant 0 : i32
        %dma_wait3A_632 = tpu.memref_slice %arg8[%dma_wait3A_627, %dma_wait3A_629, %dma_wait3A_630, %dma_wait3A_631] : memref<4x4x8x129xf32, #tpu.memory_space<vmem>> -> memref<1x4x8x128xf32, #tpu.memory_space<vmem>>
        %dma_wait3A_633 = tpu.memref_squeeze %dma_wait3A_632 : memref<1x4x8x128xf32, #tpu.memory_space<vmem>> -> memref<4x8x128xf32, #tpu.memory_space<vmem>>
        %dma_wait3A_634 = arith.constant 0 : i32
        %dma_wait3A_635 = arith.constant 0 : i32
        %dma_wait3A_636 = tpu.memref_slice %arg4[%sub3A_566, %dma_wait3A_628, %mul3A_4, %dma_wait3A_634, %dma_wait3A_635] : memref<50x4x128x8x128xf32, #tpu.memory_space<hbm>> -> memref<1x1x4x8x128xf32, #tpu.memory_space<hbm>>
        %dma_wait3A_637 = tpu.memref_squeeze %dma_wait3A_636 : memref<1x1x4x8x128xf32, #tpu.memory_space<hbm>> -> memref<4x8x128xf32, #tpu.memory_space<hbm>>
        %dma_wait3A_638 = arith.constant 0 : i32
        %dma_wait3A_639 = arith.constant 0 : i32
        %dma_wait3A_640 = tpu.memref_slice %arg4[%sub3A_566, %dma_wait3A_628, %mul3A_4, %dma_wait3A_638, %dma_wait3A_639] : memref<50x4x128x8x128xf32, #tpu.memory_space<hbm>> -> memref<1x1x4x8x128xf32, #tpu.memory_space<hbm>>
        %dma_wait3A_641 = tpu.memref_squeeze %dma_wait3A_640 : memref<1x1x4x8x128xf32, #tpu.memory_space<hbm>> -> memref<4x8x128xf32, #tpu.memory_space<hbm>>
        %dma_wait3A_642 = arith.constant 0 : i32
        %dma_wait3A_643 = arith.constant 0 : i32
        %dma_wait3A_644 = arith.constant 0 : i32
        %dma_wait3A_645 = tpu.memref_slice %arg8[%dma_wait3A_627, %dma_wait3A_642, %dma_wait3A_643, %dma_wait3A_644] : memref<4x4x8x129xf32, #tpu.memory_space<vmem>> -> memref<1x4x8x128xf32, #tpu.memory_space<vmem>>
        %dma_wait3A_646 = tpu.memref_squeeze %dma_wait3A_645 : memref<1x4x8x128xf32, #tpu.memory_space<vmem>> -> memref<4x8x128xf32, #tpu.memory_space<vmem>>
        tpu.wait_dma2 semaphore(%arg12 : memref<!tpu.dma_semaphore, #tpu.memory_space<semaphore_mem>>) src(%dma_wait3A_646 : memref<4x8x128xf32, #tpu.memory_space<vmem>>) dst(%dma_wait3A_641 : memref<4x8x128xf32, #tpu.memory_space<hbm>>)
      } else {
      }
      %scan3A_337 = arith.constant 0 : i32
      %scan3A_338 = arith.constant 0 : i32
      %scan3A_339 = arith.constant 32 : i32
      %scan3A_340 = arith.addi %scan3A_338, %scan3A_339 : i32
      %scan3A_341 = arith.constant 1 : i32
      scf.for %scan3A_566 = %scan3A_338 to %scan3A_340 step %scan3A_341  : i32 {
        %mul3A_567 = arith.constant 4 : i32
        %mul3A_568 = arith.muli %scan3A_566, %mul3A_567 : i32
        %add3A_569 = arith.constant 0 : i32
        %add3A_570 = arith.addi %mul3A_568, %add3A_569 : i32
        %add3A_571 = vector.broadcast %add3A_570 : i32 to vector<16xi32>
        %add3A_572 = arith.addi %broadcast_in_dim3A_20, %add3A_571 : vector<16xi32>
        %get3A = arith.constant 0 : i32
        %get3A_573 = arith.index_cast %get3A : i32 to index
        %get3A_574 = arith.index_cast %add3A_570 : i32 to index
        %get3A_575 = arith.constant 0 : index
        %get3A_576 = tpu.vector_load %arg6[%get3A_573, %get3A_574, %get3A_575] {strides = array<i32>} : memref<4x128x32xf32, #tpu.memory_space<vmem>>, vector<16xf32>,
        %get3A_577 = arith.constant 0 : i32
        %get3A_578 = arith.index_cast %get3A_577 : i32 to index
        %get3A_579 = arith.index_cast %add3A_570 : i32 to index
        %get3A_580 = arith.constant 16 : index
        %get3A_581 = tpu.vector_load %arg6[%get3A_578, %get3A_579, %get3A_580] {strides = array<i32>} : memref<4x128x32xf32, #tpu.memory_space<vmem>>, vector<16xf32>,
        tpu.vector_store_idx %arg8[%shift_right_logical3A_6, %broadcast_in_dim3A_9, %and3A_8, %add3A_572], %get3A_576 : memref<4x4x8x129xf32, #tpu.memory_space<vmem>>[vector<16xi32>, vector<16xi32>, vector<16xi32>, vector<16xi32>], vector<16xf32>,
        tpu.vector_store_idx %arg8[%add3A_18, %broadcast_in_dim3A_9, %and3A_8, %add3A_572], %get3A_581 : memref<4x4x8x129xf32, #tpu.memory_space<vmem>>[vector<16xi32>, vector<16xi32>, vector<16xi32>, vector<16xi32>], vector<16xf32>,
        %get3A_582 = arith.constant 1 : i32
        %get3A_583 = arith.index_cast %get3A_582 : i32 to index
        %get3A_584 = arith.index_cast %add3A_570 : i32 to index
        %get3A_585 = arith.constant 0 : index
        %get3A_586 = tpu.vector_load %arg6[%get3A_583, %get3A_584, %get3A_585] {strides = array<i32>} : memref<4x128x32xf32, #tpu.memory_space<vmem>>, vector<16xf32>,
        %get3A_587 = arith.constant 1 : i32
        %get3A_588 = arith.index_cast %get3A_587 : i32 to index
        %get3A_589 = arith.index_cast %add3A_570 : i32 to index
        %get3A_590 = arith.constant 16 : index
        %get3A_591 = tpu.vector_load %arg6[%get3A_588, %get3A_589, %get3A_590] {strides = array<i32>} : memref<4x128x32xf32, #tpu.memory_space<vmem>>, vector<16xf32>,
        tpu.vector_store_idx %arg8[%shift_right_logical3A_6, %broadcast_in_dim3A_11, %and3A_8, %add3A_572], %get3A_586 : memref<4x4x8x129xf32, #tpu.memory_space<vmem>>[vector<16xi32>, vector<16xi32>, vector<16xi32>, vector<16xi32>], vector<16xf32>,
        tpu.vector_store_idx %arg8[%add3A_18, %broadcast_in_dim3A_11, %and3A_8, %add3A_572], %get3A_591 : memref<4x4x8x129xf32, #tpu.memory_space<vmem>>[vector<16xi32>, vector<16xi32>, vector<16xi32>, vector<16xi32>], vector<16xf32>,
        %get3A_592 = arith.constant 2 : i32
        %get3A_593 = arith.index_cast %get3A_592 : i32 to index
        %get3A_594 = arith.index_cast %add3A_570 : i32 to index
        %get3A_595 = arith.constant 0 : index
        %get3A_596 = tpu.vector_load %arg6[%get3A_593, %get3A_594, %get3A_595] {strides = array<i32>} : memref<4x128x32xf32, #tpu.memory_space<vmem>>, vector<16xf32>,
        %get3A_597 = arith.constant 2 : i32
        %get3A_598 = arith.index_cast %get3A_597 : i32 to index
        %get3A_599 = arith.index_cast %add3A_570 : i32 to index
        %get3A_600 = arith.constant 16 : index
        %get3A_601 = tpu.vector_load %arg6[%get3A_598, %get3A_599, %get3A_600] {strides = array<i32>} : memref<4x128x32xf32, #tpu.memory_space<vmem>>, vector<16xf32>,
        tpu.vector_store_idx %arg8[%shift_right_logical3A_6, %broadcast_in_dim3A_13, %and3A_8, %add3A_572], %get3A_596 : memref<4x4x8x129xf32, #tpu.memory_space<vmem>>[vector<16xi32>, vector<16xi32>, vector<16xi32>, vector<16xi32>], vector<16xf32>,
        tpu.vector_store_idx %arg8[%add3A_18, %broadcast_in_dim3A_13, %and3A_8, %add3A_572], %get3A_601 : memref<4x4x8x129xf32, #tpu.memory_space<vmem>>[vector<16xi32>, vector<16xi32>, vector<16xi32>, vector<16xi32>], vector<16xf32>,
        %get3A_602 = arith.constant 3 : i32
        %get3A_603 = arith.index_cast %get3A_602 : i32 to index
        %get3A_604 = arith.index_cast %add3A_570 : i32 to index
        %get3A_605 = arith.constant 0 : index
        %get3A_606 = tpu.vector_load %arg6[%get3A_603, %get3A_604, %get3A_605] {strides = array<i32>} : memref<4x128x32xf32, #tpu.memory_space<vmem>>, vector<16xf32>,
        %get3A_607 = arith.constant 3 : i32
        %get3A_608 = arith.index_cast %get3A_607 : i32 to index
        %get3A_609 = arith.index_cast %add3A_570 : i32 to index
        %get3A_610 = arith.constant 16 : index
        %get3A_611 = tpu.vector_load %arg6[%get3A_608, %get3A_609, %get3A_610] {strides = array<i32>} : memref<4x128x32xf32, #tpu.memory_space<vmem>>, vector<16xf32>,
        tpu.vector_store_idx %arg8[%shift_right_logical3A_6, %broadcast_in_dim3A_15, %and3A_8, %add3A_572], %get3A_606 : memref<4x4x8x129xf32, #tpu.memory_space<vmem>>[vector<16xi32>, vector<16xi32>, vector<16xi32>, vector<16xi32>], vector<16xf32>,
        tpu.vector_store_idx %arg8[%add3A_18, %broadcast_in_dim3A_15, %and3A_8, %add3A_572], %get3A_611 : memref<4x4x8x129xf32, #tpu.memory_space<vmem>>[vector<16xi32>, vector<16xi32>, vector<16xi32>, vector<16xi32>], vector<16xf32>,
        %mul3A_612 = arith.constant 4 : i32
        %mul3A_613 = arith.muli %scan3A_566, %mul3A_612 : i32
        %add3A_614 = arith.constant 1 : i32
        %add3A_615 = arith.addi %mul3A_613, %add3A_614 : i32
        %add3A_616 = vector.broadcast %add3A_615 : i32 to vector<16xi32>
        %add3A_617 = arith.addi %broadcast_in_dim3A_20, %add3A_616 : vector<16xi32>
        %get3A_618 = arith.constant 0 : i32
        %get3A_619 = arith.index_cast %get3A_618 : i32 to index
        %get3A_620 = arith.index_cast %add3A_615 : i32 to index
        %get3A_621 = arith.constant 0 : index
        %get3A_622 = tpu.vector_load %arg6[%get3A_619, %get3A_620, %get3A_621] {strides = array<i32>} : memref<4x128x32xf32, #tpu.memory_space<vmem>>, vector<16xf32>,
        %get3A_623 = arith.constant 0 : i32
        %get3A_624 = arith.index_cast %get3A_623 : i32 to index
        %get3A_625 = arith.index_cast %add3A_615 : i32 to index
        %get3A_626 = arith.constant 16 : index
        %get3A_627 = tpu.vector_load %arg6[%get3A_624, %get3A_625, %get3A_626] {strides = array<i32>} : memref<4x128x32xf32, #tpu.memory_space<vmem>>, vector<16xf32>,
        tpu.vector_store_idx %arg8[%shift_right_logical3A_6, %broadcast_in_dim3A_9, %and3A_8, %add3A_617], %get3A_622 : memref<4x4x8x129xf32, #tpu.memory_space<vmem>>[vector<16xi32>, vector<16xi32>, vector<16xi32>, vector<16xi32>], vector<16xf32>,
        tpu.vector_store_idx %arg8[%add3A_18, %broadcast_in_dim3A_9, %and3A_8, %add3A_617], %get3A_627 : memref<4x4x8x129xf32, #tpu.memory_space<vmem>>[vector<16xi32>, vector<16xi32>, vector<16xi32>, vector<16xi32>], vector<16xf32>,
        %get3A_628 = arith.constant 1 : i32
        %get3A_629 = arith.index_cast %get3A_628 : i32 to index
        %get3A_630 = arith.index_cast %add3A_615 : i32 to index
        %get3A_631 = arith.constant 0 : index
        %get3A_632 = tpu.vector_load %arg6[%get3A_629, %get3A_630, %get3A_631] {strides = array<i32>} : memref<4x128x32xf32, #tpu.memory_space<vmem>>, vector<16xf32>,
        %get3A_633 = arith.constant 1 : i32
        %get3A_634 = arith.index_cast %get3A_633 : i32 to index
        %get3A_635 = arith.index_cast %add3A_615 : i32 to index
        %get3A_636 = arith.constant 16 : index
        %get3A_637 = tpu.vector_load %arg6[%get3A_634, %get3A_635, %get3A_636] {strides = array<i32>} : memref<4x128x32xf32, #tpu.memory_space<vmem>>, vector<16xf32>,
        tpu.vector_store_idx %arg8[%shift_right_logical3A_6, %broadcast_in_dim3A_11, %and3A_8, %add3A_617], %get3A_632 : memref<4x4x8x129xf32, #tpu.memory_space<vmem>>[vector<16xi32>, vector<16xi32>, vector<16xi32>, vector<16xi32>], vector<16xf32>,
        tpu.vector_store_idx %arg8[%add3A_18, %broadcast_in_dim3A_11, %and3A_8, %add3A_617], %get3A_637 : memref<4x4x8x129xf32, #tpu.memory_space<vmem>>[vector<16xi32>, vector<16xi32>, vector<16xi32>, vector<16xi32>], vector<16xf32>,
        %get3A_638 = arith.constant 2 : i32
        %get3A_639 = arith.index_cast %get3A_638 : i32 to index
        %get3A_640 = arith.index_cast %add3A_615 : i32 to index
        %get3A_641 = arith.constant 0 : index
        %get3A_642 = tpu.vector_load %arg6[%get3A_639, %get3A_640, %get3A_641] {strides = array<i32>} : memref<4x128x32xf32, #tpu.memory_space<vmem>>, vector<16xf32>,
        %get3A_643 = arith.constant 2 : i32
        %get3A_644 = arith.index_cast %get3A_643 : i32 to index
        %get3A_645 = arith.index_cast %add3A_615 : i32 to index
        %get3A_646 = arith.constant 16 : index
        %get3A_647 = tpu.vector_load %arg6[%get3A_644, %get3A_645, %get3A_646] {strides = array<i32>} : memref<4x128x32xf32, #tpu.memory_space<vmem>>, vector<16xf32>,
        tpu.vector_store_idx %arg8[%shift_right_logical3A_6, %broadcast_in_dim3A_13, %and3A_8, %add3A_617], %get3A_642 : memref<4x4x8x129xf32, #tpu.memory_space<vmem>>[vector<16xi32>, vector<16xi32>, vector<16xi32>, vector<16xi32>], vector<16xf32>,
        tpu.vector_store_idx %arg8[%add3A_18, %broadcast_in_dim3A_13, %and3A_8, %add3A_617], %get3A_647 : memref<4x4x8x129xf32, #tpu.memory_space<vmem>>[vector<16xi32>, vector<16xi32>, vector<16xi32>, vector<16xi32>], vector<16xf32>,
        %get3A_648 = arith.constant 3 : i32
        %get3A_649 = arith.index_cast %get3A_648 : i32 to index
        %get3A_650 = arith.index_cast %add3A_615 : i32 to index
        %get3A_651 = arith.constant 0 : index
        %get3A_652 = tpu.vector_load %arg6[%get3A_649, %get3A_650, %get3A_651] {strides = array<i32>} : memref<4x128x32xf32, #tpu.memory_space<vmem>>, vector<16xf32>,
        %get3A_653 = arith.constant 3 : i32
        %get3A_654 = arith.index_cast %get3A_653 : i32 to index
        %get3A_655 = arith.index_cast %add3A_615 : i32 to index
        %get3A_656 = arith.constant 16 : index
        %get3A_657 = tpu.vector_load %arg6[%get3A_654, %get3A_655, %get3A_656] {strides = array<i32>} : memref<4x128x32xf32, #tpu.memory_space<vmem>>, vector<16xf32>,
        tpu.vector_store_idx %arg8[%shift_right_logical3A_6, %broadcast_in_dim3A_15, %and3A_8, %add3A_617], %get3A_652 : memref<4x4x8x129xf32, #tpu.memory_space<vmem>>[vector<16xi32>, vector<16xi32>, vector<16xi32>, vector<16xi32>], vector<16xf32>,
        tpu.vector_store_idx %arg8[%add3A_18, %broadcast_in_dim3A_15, %and3A_8, %add3A_617], %get3A_657 : memref<4x4x8x129xf32, #tpu.memory_space<vmem>>[vector<16xi32>, vector<16xi32>, vector<16xi32>, vector<16xi32>], vector<16xf32>,
        %mul3A_658 = arith.constant 4 : i32
        %mul3A_659 = arith.muli %scan3A_566, %mul3A_658 : i32
        %add3A_660 = arith.constant 2 : i32
        %add3A_661 = arith.addi %mul3A_659, %add3A_660 : i32
        %add3A_662 = vector.broadcast %add3A_661 : i32 to vector<16xi32>
        %add3A_663 = arith.addi %broadcast_in_dim3A_20, %add3A_662 : vector<16xi32>
        %get3A_664 = arith.constant 0 : i32
        %get3A_665 = arith.index_cast %get3A_664 : i32 to index
        %get3A_666 = arith.index_cast %add3A_661 : i32 to index
        %get3A_667 = arith.constant 0 : index
        %get3A_668 = tpu.vector_load %arg6[%get3A_665, %get3A_666, %get3A_667] {strides = array<i32>} : memref<4x128x32xf32, #tpu.memory_space<vmem>>, vector<16xf32>,
        %get3A_669 = arith.constant 0 : i32
        %get3A_670 = arith.index_cast %get3A_669 : i32 to index
        %get3A_671 = arith.index_cast %add3A_661 : i32 to index
        %get3A_672 = arith.constant 16 : index
        %get3A_673 = tpu.vector_load %arg6[%get3A_670, %get3A_671, %get3A_672] {strides = array<i32>} : memref<4x128x32xf32, #tpu.memory_space<vmem>>, vector<16xf32>,
        tpu.vector_store_idx %arg8[%shift_right_logical3A_6, %broadcast_in_dim3A_9, %and3A_8, %add3A_663], %get3A_668 : memref<4x4x8x129xf32, #tpu.memory_space<vmem>>[vector<16xi32>, vector<16xi32>, vector<16xi32>, vector<16xi32>], vector<16xf32>,
        tpu.vector_store_idx %arg8[%add3A_18, %broadcast_in_dim3A_9, %and3A_8, %add3A_663], %get3A_673 : memref<4x4x8x129xf32, #tpu.memory_space<vmem>>[vector<16xi32>, vector<16xi32>, vector<16xi32>, vector<16xi32>], vector<16xf32>,
        %get3A_674 = arith.constant 1 : i32
        %get3A_675 = arith.index_cast %get3A_674 : i32 to index
        %get3A_676 = arith.index_cast %add3A_661 : i32 to index
        %get3A_677 = arith.constant 0 : index
        %get3A_678 = tpu.vector_load %arg6[%get3A_675, %get3A_676, %get3A_677] {strides = array<i32>} : memref<4x128x32xf32, #tpu.memory_space<vmem>>, vector<16xf32>,
        %get3A_679 = arith.constant 1 : i32
        %get3A_680 = arith.index_cast %get3A_679 : i32 to index
        %get3A_681 = arith.index_cast %add3A_661 : i32 to index
        %get3A_682 = arith.constant 16 : index
        %get3A_683 = tpu.vector_load %arg6[%get3A_680, %get3A_681, %get3A_682] {strides = array<i32>} : memref<4x128x32xf32, #tpu.memory_space<vmem>>, vector<16xf32>,
        tpu.vector_store_idx %arg8[%shift_right_logical3A_6, %broadcast_in_dim3A_11, %and3A_8, %add3A_663], %get3A_678 : memref<4x4x8x129xf32, #tpu.memory_space<vmem>>[vector<16xi32>, vector<16xi32>, vector<16xi32>, vector<16xi32>], vector<16xf32>,
        tpu.vector_store_idx %arg8[%add3A_18, %broadcast_in_dim3A_11, %and3A_8, %add3A_663], %get3A_683 : memref<4x4x8x129xf32, #tpu.memory_space<vmem>>[vector<16xi32>, vector<16xi32>, vector<16xi32>, vector<16xi32>], vector<16xf32>,
        %get3A_684 = arith.constant 2 : i32
        %get3A_685 = arith.index_cast %get3A_684 : i32 to index
        %get3A_686 = arith.index_cast %add3A_661 : i32 to index
        %get3A_687 = arith.constant 0 : index
        %get3A_688 = tpu.vector_load %arg6[%get3A_685, %get3A_686, %get3A_687] {strides = array<i32>} : memref<4x128x32xf32, #tpu.memory_space<vmem>>, vector<16xf32>,
        %get3A_689 = arith.constant 2 : i32
        %get3A_690 = arith.index_cast %get3A_689 : i32 to index
        %get3A_691 = arith.index_cast %add3A_661 : i32 to index
        %get3A_692 = arith.constant 16 : index
        %get3A_693 = tpu.vector_load %arg6[%get3A_690, %get3A_691, %get3A_692] {strides = array<i32>} : memref<4x128x32xf32, #tpu.memory_space<vmem>>, vector<16xf32>,
        tpu.vector_store_idx %arg8[%shift_right_logical3A_6, %broadcast_in_dim3A_13, %and3A_8, %add3A_663], %get3A_688 : memref<4x4x8x129xf32, #tpu.memory_space<vmem>>[vector<16xi32>, vector<16xi32>, vector<16xi32>, vector<16xi32>], vector<16xf32>,
        tpu.vector_store_idx %arg8[%add3A_18, %broadcast_in_dim3A_13, %and3A_8, %add3A_663], %get3A_693 : memref<4x4x8x129xf32, #tpu.memory_space<vmem>>[vector<16xi32>, vector<16xi32>, vector<16xi32>, vector<16xi32>], vector<16xf32>,
        %get3A_694 = arith.constant 3 : i32
        %get3A_695 = arith.index_cast %get3A_694 : i32 to index
        %get3A_696 = arith.index_cast %add3A_661 : i32 to index
        %get3A_697 = arith.constant 0 : index
        %get3A_698 = tpu.vector_load %arg6[%get3A_695, %get3A_696, %get3A_697] {strides = array<i32>} : memref<4x128x32xf32, #tpu.memory_space<vmem>>, vector<16xf32>,
        %get3A_699 = arith.constant 3 : i32
        %get3A_700 = arith.index_cast %get3A_699 : i32 to index
        %get3A_701 = arith.index_cast %add3A_661 : i32 to index
        %get3A_702 = arith.constant 16 : index
        %get3A_703 = tpu.vector_load %arg6[%get3A_700, %get3A_701, %get3A_702] {strides = array<i32>} : memref<4x128x32xf32, #tpu.memory_space<vmem>>, vector<16xf32>,
        tpu.vector_store_idx %arg8[%shift_right_logical3A_6, %broadcast_in_dim3A_15, %and3A_8, %add3A_663], %get3A_698 : memref<4x4x8x129xf32, #tpu.memory_space<vmem>>[vector<16xi32>, vector<16xi32>, vector<16xi32>, vector<16xi32>], vector<16xf32>,
        tpu.vector_store_idx %arg8[%add3A_18, %broadcast_in_dim3A_15, %and3A_8, %add3A_663], %get3A_703 : memref<4x4x8x129xf32, #tpu.memory_space<vmem>>[vector<16xi32>, vector<16xi32>, vector<16xi32>, vector<16xi32>], vector<16xf32>,
        %mul3A_704 = arith.constant 4 : i32
        %mul3A_705 = arith.muli %scan3A_566, %mul3A_704 : i32
        %add3A_706 = arith.constant 3 : i32
        %add3A_707 = arith.addi %mul3A_705, %add3A_706 : i32
        %add3A_708 = vector.broadcast %add3A_707 : i32 to vector<16xi32>
        %add3A_709 = arith.addi %broadcast_in_dim3A_20, %add3A_708 : vector<16xi32>
        %get3A_710 = arith.constant 0 : i32
        %get3A_711 = arith.index_cast %get3A_710 : i32 to index
        %get3A_712 = arith.index_cast %add3A_707 : i32 to index
        %get3A_713 = arith.constant 0 : index
        %get3A_714 = tpu.vector_load %arg6[%get3A_711, %get3A_712, %get3A_713] {strides = array<i32>} : memref<4x128x32xf32, #tpu.memory_space<vmem>>, vector<16xf32>,
        %get3A_715 = arith.constant 0 : i32
        %get3A_716 = arith.index_cast %get3A_715 : i32 to index
        %get3A_717 = arith.index_cast %add3A_707 : i32 to index
        %get3A_718 = arith.constant 16 : index
        %get3A_719 = tpu.vector_load %arg6[%get3A_716, %get3A_717, %get3A_718] {strides = array<i32>} : memref<4x128x32xf32, #tpu.memory_space<vmem>>, vector<16xf32>,
        tpu.vector_store_idx %arg8[%shift_right_logical3A_6, %broadcast_in_dim3A_9, %and3A_8, %add3A_709], %get3A_714 : memref<4x4x8x129xf32, #tpu.memory_space<vmem>>[vector<16xi32>, vector<16xi32>, vector<16xi32>, vector<16xi32>], vector<16xf32>,
        tpu.vector_store_idx %arg8[%add3A_18, %broadcast_in_dim3A_9, %and3A_8, %add3A_709], %get3A_719 : memref<4x4x8x129xf32, #tpu.memory_space<vmem>>[vector<16xi32>, vector<16xi32>, vector<16xi32>, vector<16xi32>], vector<16xf32>,
        %get3A_720 = arith.constant 1 : i32
        %get3A_721 = arith.index_cast %get3A_720 : i32 to index
        %get3A_722 = arith.index_cast %add3A_707 : i32 to index
        %get3A_723 = arith.constant 0 : index
        %get3A_724 = tpu.vector_load %arg6[%get3A_721, %get3A_722, %get3A_723] {strides = array<i32>} : memref<4x128x32xf32, #tpu.memory_space<vmem>>, vector<16xf32>,
        %get3A_725 = arith.constant 1 : i32
        %get3A_726 = arith.index_cast %get3A_725 : i32 to index
        %get3A_727 = arith.index_cast %add3A_707 : i32 to index
        %get3A_728 = arith.constant 16 : index
        %get3A_729 = tpu.vector_load %arg6[%get3A_726, %get3A_727, %get3A_728] {strides = array<i32>} : memref<4x128x32xf32, #tpu.memory_space<vmem>>, vector<16xf32>,
        tpu.vector_store_idx %arg8[%shift_right_logical3A_6, %broadcast_in_dim3A_11, %and3A_8, %add3A_709], %get3A_724 : memref<4x4x8x129xf32, #tpu.memory_space<vmem>>[vector<16xi32>, vector<16xi32>, vector<16xi32>, vector<16xi32>], vector<16xf32>,
        tpu.vector_store_idx %arg8[%add3A_18, %broadcast_in_dim3A_11, %and3A_8, %add3A_709], %get3A_729 : memref<4x4x8x129xf32, #tpu.memory_space<vmem>>[vector<16xi32>, vector<16xi32>, vector<16xi32>, vector<16xi32>], vector<16xf32>,
        %get3A_730 = arith.constant 2 : i32
        %get3A_731 = arith.index_cast %get3A_730 : i32 to index
        %get3A_732 = arith.index_cast %add3A_707 : i32 to index
        %get3A_733 = arith.constant 0 : index
        %get3A_734 = tpu.vector_load %arg6[%get3A_731, %get3A_732, %get3A_733] {strides = array<i32>} : memref<4x128x32xf32, #tpu.memory_space<vmem>>, vector<16xf32>,
        %get3A_735 = arith.constant 2 : i32
        %get3A_736 = arith.index_cast %get3A_735 : i32 to index
        %get3A_737 = arith.index_cast %add3A_707 : i32 to index
        %get3A_738 = arith.constant 16 : index
        %get3A_739 = tpu.vector_load %arg6[%get3A_736, %get3A_737, %get3A_738] {strides = array<i32>} : memref<4x128x32xf32, #tpu.memory_space<vmem>>, vector<16xf32>,
        tpu.vector_store_idx %arg8[%shift_right_logical3A_6, %broadcast_in_dim3A_13, %and3A_8, %add3A_709], %get3A_734 : memref<4x4x8x129xf32, #tpu.memory_space<vmem>>[vector<16xi32>, vector<16xi32>, vector<16xi32>, vector<16xi32>], vector<16xf32>,
        tpu.vector_store_idx %arg8[%add3A_18, %broadcast_in_dim3A_13, %and3A_8, %add3A_709], %get3A_739 : memref<4x4x8x129xf32, #tpu.memory_space<vmem>>[vector<16xi32>, vector<16xi32>, vector<16xi32>, vector<16xi32>], vector<16xf32>,
        %get3A_740 = arith.constant 3 : i32
        %get3A_741 = arith.index_cast %get3A_740 : i32 to index
        %get3A_742 = arith.index_cast %add3A_707 : i32 to index
        %get3A_743 = arith.constant 0 : index
        %get3A_744 = tpu.vector_load %arg6[%get3A_741, %get3A_742, %get3A_743] {strides = array<i32>} : memref<4x128x32xf32, #tpu.memory_space<vmem>>, vector<16xf32>,
        %get3A_745 = arith.constant 3 : i32
        %get3A_746 = arith.index_cast %get3A_745 : i32 to index
        %get3A_747 = arith.index_cast %add3A_707 : i32 to index
        %get3A_748 = arith.constant 16 : index
        %get3A_749 = tpu.vector_load %arg6[%get3A_746, %get3A_747, %get3A_748] {strides = array<i32>} : memref<4x128x32xf32, #tpu.memory_space<vmem>>, vector<16xf32>,
        tpu.vector_store_idx %arg8[%shift_right_logical3A_6, %broadcast_in_dim3A_15, %and3A_8, %add3A_709], %get3A_744 : memref<4x4x8x129xf32, #tpu.memory_space<vmem>>[vector<16xi32>, vector<16xi32>, vector<16xi32>, vector<16xi32>], vector<16xf32>,
        tpu.vector_store_idx %arg8[%add3A_18, %broadcast_in_dim3A_15, %and3A_8, %add3A_709], %get3A_749 : memref<4x4x8x129xf32, #tpu.memory_space<vmem>>[vector<16xi32>, vector<16xi32>, vector<16xi32>, vector<16xi32>], vector<16xf32>,
      }
      %scan3A_342 = arith.constant 32 : i32
      %dma_start3A_343 = arith.constant 0 : i32
      %dma_start3A_344 = arith.constant 0 : i32
      %dma_start3A_345 = arith.constant 0 : i32
      %dma_start3A_346 = arith.constant 0 : i32
      %dma_start3A_347 = arith.constant 0 : i32
      %dma_start3A_348 = tpu.memref_slice %arg8[%dma_start3A_343, %dma_start3A_345, %dma_start3A_346, %dma_start3A_347] : memref<4x4x8x129xf32, #tpu.memory_space<vmem>> -> memref<1x4x8x128xf32, #tpu.memory_space<vmem>>
      %dma_start3A_349 = tpu.memref_squeeze %dma_start3A_348 : memref<1x4x8x128xf32, #tpu.memory_space<vmem>> -> memref<4x8x128xf32, #tpu.memory_space<vmem>>
      %dma_start3A_350 = arith.constant 0 : i32
      %dma_start3A_351 = arith.constant 0 : i32
      %dma_start3A_352 = tpu.memref_slice %arg4[%add3A_244, %dma_start3A_344, %mul3A_4, %dma_start3A_350, %dma_start3A_351] : memref<50x4x128x8x128xf32, #tpu.memory_space<hbm>> -> memref<1x1x4x8x128xf32, #tpu.memory_space<hbm>>
      %dma_start3A_353 = tpu.memref_squeeze %dma_start3A_352 : memref<1x1x4x8x128xf32, #tpu.memory_space<hbm>> -> memref<4x8x128xf32, #tpu.memory_space<hbm>>
      %dma_start3A_354 = arith.constant 0 : i32
      %dma_start3A_355 = arith.constant 0 : i32
      %dma_start3A_356 = tpu.memref_slice %arg4[%add3A_244, %dma_start3A_344, %mul3A_4, %dma_start3A_354, %dma_start3A_355] : memref<50x4x128x8x128xf32, #tpu.memory_space<hbm>> -> memref<1x1x4x8x128xf32, #tpu.memory_space<hbm>>
      %dma_start3A_357 = tpu.memref_squeeze %dma_start3A_356 : memref<1x1x4x8x128xf32, #tpu.memory_space<hbm>> -> memref<4x8x128xf32, #tpu.memory_space<hbm>>
      %dma_start3A_358 = arith.constant 0 : i32
      %dma_start3A_359 = arith.constant 0 : i32
      %dma_start3A_360 = arith.constant 0 : i32
      %dma_start3A_361 = tpu.memref_slice %arg8[%dma_start3A_343, %dma_start3A_358, %dma_start3A_359, %dma_start3A_360] : memref<4x4x8x129xf32, #tpu.memory_space<vmem>> -> memref<1x4x8x128xf32, #tpu.memory_space<vmem>>
      %dma_start3A_362 = tpu.memref_squeeze %dma_start3A_361 : memref<1x4x8x128xf32, #tpu.memory_space<vmem>> -> memref<4x8x128xf32, #tpu.memory_space<vmem>>
      tpu.enqueue_dma source(%dma_start3A_362 : memref<4x8x128xf32, #tpu.memory_space<vmem>>) target(%dma_start3A_357 : memref<4x8x128xf32, #tpu.memory_space<hbm>>) target_semaphore(%arg12 : memref<!tpu.dma_semaphore, #tpu.memory_space<semaphore_mem>>)
      %dma_start3A_363 = arith.constant 1 : i32
      %dma_start3A_364 = arith.constant 1 : i32
      %dma_start3A_365 = arith.constant 0 : i32
      %dma_start3A_366 = arith.constant 0 : i32
      %dma_start3A_367 = arith.constant 0 : i32
      %dma_start3A_368 = tpu.memref_slice %arg8[%dma_start3A_363, %dma_start3A_365, %dma_start3A_366, %dma_start3A_367] : memref<4x4x8x129xf32, #tpu.memory_space<vmem>> -> memref<1x4x8x128xf32, #tpu.memory_space<vmem>>
      %dma_start3A_369 = tpu.memref_squeeze %dma_start3A_368 : memref<1x4x8x128xf32, #tpu.memory_space<vmem>> -> memref<4x8x128xf32, #tpu.memory_space<vmem>>
      %dma_start3A_370 = arith.constant 0 : i32
      %dma_start3A_371 = arith.constant 0 : i32
      %dma_start3A_372 = tpu.memref_slice %arg4[%add3A_244, %dma_start3A_364, %mul3A_4, %dma_start3A_370, %dma_start3A_371] : memref<50x4x128x8x128xf32, #tpu.memory_space<hbm>> -> memref<1x1x4x8x128xf32, #tpu.memory_space<hbm>>
      %dma_start3A_373 = tpu.memref_squeeze %dma_start3A_372 : memref<1x1x4x8x128xf32, #tpu.memory_space<hbm>> -> memref<4x8x128xf32, #tpu.memory_space<hbm>>
      %dma_start3A_374 = arith.constant 0 : i32
      %dma_start3A_375 = arith.constant 0 : i32
      %dma_start3A_376 = tpu.memref_slice %arg4[%add3A_244, %dma_start3A_364, %mul3A_4, %dma_start3A_374, %dma_start3A_375] : memref<50x4x128x8x128xf32, #tpu.memory_space<hbm>> -> memref<1x1x4x8x128xf32, #tpu.memory_space<hbm>>
      %dma_start3A_377 = tpu.memref_squeeze %dma_start3A_376 : memref<1x1x4x8x128xf32, #tpu.memory_space<hbm>> -> memref<4x8x128xf32, #tpu.memory_space<hbm>>
      %dma_start3A_378 = arith.constant 0 : i32
      %dma_start3A_379 = arith.constant 0 : i32
      %dma_start3A_380 = arith.constant 0 : i32
      %dma_start3A_381 = tpu.memref_slice %arg8[%dma_start3A_363, %dma_start3A_378, %dma_start3A_379, %dma_start3A_380] : memref<4x4x8x129xf32, #tpu.memory_space<vmem>> -> memref<1x4x8x128xf32, #tpu.memory_space<vmem>>
      %dma_start3A_382 = tpu.memref_squeeze %dma_start3A_381 : memref<1x4x8x128xf32, #tpu.memory_space<vmem>> -> memref<4x8x128xf32, #tpu.memory_space<vmem>>
      tpu.enqueue_dma source(%dma_start3A_382 : memref<4x8x128xf32, #tpu.memory_space<vmem>>) target(%dma_start3A_377 : memref<4x8x128xf32, #tpu.memory_space<hbm>>) target_semaphore(%arg12 : memref<!tpu.dma_semaphore, #tpu.memory_space<semaphore_mem>>)
      %dma_start3A_383 = arith.constant 2 : i32
      %dma_start3A_384 = arith.constant 2 : i32
      %dma_start3A_385 = arith.constant 0 : i32
      %dma_start3A_386 = arith.constant 0 : i32
      %dma_start3A_387 = arith.constant 0 : i32
      %dma_start3A_388 = tpu.memref_slice %arg8[%dma_start3A_383, %dma_start3A_385, %dma_start3A_386, %dma_start3A_387] : memref<4x4x8x129xf32, #tpu.memory_space<vmem>> -> memref<1x4x8x128xf32, #tpu.memory_space<vmem>>
      %dma_start3A_389 = tpu.memref_squeeze %dma_start3A_388 : memref<1x4x8x128xf32, #tpu.memory_space<vmem>> -> memref<4x8x128xf32, #tpu.memory_space<vmem>>
      %dma_start3A_390 = arith.constant 0 : i32
      %dma_start3A_391 = arith.constant 0 : i32
      %dma_start3A_392 = tpu.memref_slice %arg4[%add3A_244, %dma_start3A_384, %mul3A_4, %dma_start3A_390, %dma_start3A_391] : memref<50x4x128x8x128xf32, #tpu.memory_space<hbm>> -> memref<1x1x4x8x128xf32, #tpu.memory_space<hbm>>
      %dma_start3A_393 = tpu.memref_squeeze %dma_start3A_392 : memref<1x1x4x8x128xf32, #tpu.memory_space<hbm>> -> memref<4x8x128xf32, #tpu.memory_space<hbm>>
      %dma_start3A_394 = arith.constant 0 : i32
      %dma_start3A_395 = arith.constant 0 : i32
      %dma_start3A_396 = tpu.memref_slice %arg4[%add3A_244, %dma_start3A_384, %mul3A_4, %dma_start3A_394, %dma_start3A_395] : memref<50x4x128x8x128xf32, #tpu.memory_space<hbm>> -> memref<1x1x4x8x128xf32, #tpu.memory_space<hbm>>
      %dma_start3A_397 = tpu.memref_squeeze %dma_start3A_396 : memref<1x1x4x8x128xf32, #tpu.memory_space<hbm>> -> memref<4x8x128xf32, #tpu.memory_space<hbm>>
      %dma_start3A_398 = arith.constant 0 : i32
      %dma_start3A_399 = arith.constant 0 : i32
      %dma_start3A_400 = arith.constant 0 : i32
      %dma_start3A_401 = tpu.memref_slice %arg8[%dma_start3A_383, %dma_start3A_398, %dma_start3A_399, %dma_start3A_400] : memref<4x4x8x129xf32, #tpu.memory_space<vmem>> -> memref<1x4x8x128xf32, #tpu.memory_space<vmem>>
      %dma_start3A_402 = tpu.memref_squeeze %dma_start3A_401 : memref<1x4x8x128xf32, #tpu.memory_space<vmem>> -> memref<4x8x128xf32, #tpu.memory_space<vmem>>
      tpu.enqueue_dma source(%dma_start3A_402 : memref<4x8x128xf32, #tpu.memory_space<vmem>>) target(%dma_start3A_397 : memref<4x8x128xf32, #tpu.memory_space<hbm>>) target_semaphore(%arg12 : memref<!tpu.dma_semaphore, #tpu.memory_space<semaphore_mem>>)
      %dma_start3A_403 = arith.constant 3 : i32
      %dma_start3A_404 = arith.constant 3 : i32
      %dma_start3A_405 = arith.constant 0 : i32
      %dma_start3A_406 = arith.constant 0 : i32
      %dma_start3A_407 = arith.constant 0 : i32
      %dma_start3A_408 = tpu.memref_slice %arg8[%dma_start3A_403, %dma_start3A_405, %dma_start3A_406, %dma_start3A_407] : memref<4x4x8x129xf32, #tpu.memory_space<vmem>> -> memref<1x4x8x128xf32, #tpu.memory_space<vmem>>
      %dma_start3A_409 = tpu.memref_squeeze %dma_start3A_408 : memref<1x4x8x128xf32, #tpu.memory_space<vmem>> -> memref<4x8x128xf32, #tpu.memory_space<vmem>>
      %dma_start3A_410 = arith.constant 0 : i32
      %dma_start3A_411 = arith.constant 0 : i32
      %dma_start3A_412 = tpu.memref_slice %arg4[%add3A_244, %dma_start3A_404, %mul3A_4, %dma_start3A_410, %dma_start3A_411] : memref<50x4x128x8x128xf32, #tpu.memory_space<hbm>> -> memref<1x1x4x8x128xf32, #tpu.memory_space<hbm>>
      %dma_start3A_413 = tpu.memref_squeeze %dma_start3A_412 : memref<1x1x4x8x128xf32, #tpu.memory_space<hbm>> -> memref<4x8x128xf32, #tpu.memory_space<hbm>>
      %dma_start3A_414 = arith.constant 0 : i32
      %dma_start3A_415 = arith.constant 0 : i32
      %dma_start3A_416 = tpu.memref_slice %arg4[%add3A_244, %dma_start3A_404, %mul3A_4, %dma_start3A_414, %dma_start3A_415] : memref<50x4x128x8x128xf32, #tpu.memory_space<hbm>> -> memref<1x1x4x8x128xf32, #tpu.memory_space<hbm>>
      %dma_start3A_417 = tpu.memref_squeeze %dma_start3A_416 : memref<1x1x4x8x128xf32, #tpu.memory_space<hbm>> -> memref<4x8x128xf32, #tpu.memory_space<hbm>>
      %dma_start3A_418 = arith.constant 0 : i32
      %dma_start3A_419 = arith.constant 0 : i32
      %dma_start3A_420 = arith.constant 0 : i32
      %dma_start3A_421 = tpu.memref_slice %arg8[%dma_start3A_403, %dma_start3A_418, %dma_start3A_419, %dma_start3A_420] : memref<4x4x8x129xf32, #tpu.memory_space<vmem>> -> memref<1x4x8x128xf32, #tpu.memory_space<vmem>>
      %dma_start3A_422 = tpu.memref_squeeze %dma_start3A_421 : memref<1x4x8x128xf32, #tpu.memory_space<vmem>> -> memref<4x8x128xf32, #tpu.memory_space<vmem>>
      tpu.enqueue_dma source(%dma_start3A_422 : memref<4x8x128xf32, #tpu.memory_space<vmem>>) target(%dma_start3A_417 : memref<4x8x128xf32, #tpu.memory_space<hbm>>) target_semaphore(%arg12 : memref<!tpu.dma_semaphore, #tpu.memory_space<semaphore_mem>>)
      %mul3A_423 = arith.constant 2 : i32
      %mul3A_424 = arith.muli %mul3A_423, %scan3A_240 : i32
      %add3A_425 = arith.constant 1 : i32
      %add3A_426 = arith.addi %mul3A_424, %add3A_425 : i32
      %lt3A = arith.constant 24 : i32
      %lt3A_427 = arith.cmpi slt, %scan3A_240, %lt3A : i32
      %convert_element_type3A_428 = arith.extui %lt3A_427 : i1 to i32
      %cond3A_429 = arith.constant 0 : i32
      %cond3A_430 = arith.cmpi ne, %convert_element_type3A_428, %cond3A_429 : i32
      scf.if %cond3A_430 {
        %add3A_566 = arith.constant 1 : i32
        %add3A_567 = arith.addi %add3A_426, %add3A_566 : i32
        %dma_start3A_568 = arith.constant 0 : i32
        %dma_start3A_569 = arith.constant 0 : i32
        %dma_start3A_570 = arith.constant 0 : i32
        %dma_start3A_571 = tpu.memref_slice %arg6[%dma_start3A_568, %dma_start3A_569, %dma_start3A_570] : memref<4x128x32xf32, #tpu.memory_space<vmem>> -> memref<1x128x32xf32, #tpu.memory_space<vmem>>
        %dma_start3A_572 = tpu.memref_squeeze %dma_start3A_571 : memref<1x128x32xf32, #tpu.memory_space<vmem>> -> memref<128x32xf32, #tpu.memory_space<vmem>>
        %dma_start3A_573 = arith.constant 0 : i32
        %dma_start3A_574 = tpu.memref_slice %arg5[%add3A_567, %dma_start3A_573] : memref<50x512xi32, #tpu.memory_space<vmem>> -> memref<1x128xi32, #tpu.memory_space<vmem>>
        %dma_start3A_575 = tpu.memref_squeeze %dma_start3A_574 : memref<1x128xi32, #tpu.memory_space<vmem>> -> memref<128xi32, #tpu.memory_space<vmem>>
        %dma_start3A_576 = arith.constant 0 : i32
        %dma_start3A_577 = arith.constant 0 : i32
        %dma_start3A_578 = tpu.memref_slice %arg3[%dma_start3A_576, %dma_start3A_577] : memref<1000000x32xf32, #tpu.memory_space<hbm>> -> memref<1000000x32xf32, #tpu.memory_space<hbm>>
        tpu.enqueue_indirect_dma source(%dma_start3A_578 : memref<1000000x32xf32, #tpu.memory_space<hbm>>) target(%dma_start3A_572 : memref<128x32xf32, #tpu.memory_space<vmem>>) offsets(%dma_start3A_575 : memref<128xi32, #tpu.memory_space<vmem>>) semaphore(%arg10 : memref<!tpu.dma_semaphore, #tpu.memory_space<semaphore_mem>>)
        %dma_start3A_579 = arith.constant 1 : i32
        %dma_start3A_580 = arith.constant 0 : i32
        %dma_start3A_581 = arith.constant 0 : i32
        %dma_start3A_582 = tpu.memref_slice %arg6[%dma_start3A_579, %dma_start3A_580, %dma_start3A_581] : memref<4x128x32xf32, #tpu.memory_space<vmem>> -> memref<1x128x32xf32, #tpu.memory_space<vmem>>
        %dma_start3A_583 = tpu.memref_squeeze %dma_start3A_582 : memref<1x128x32xf32, #tpu.memory_space<vmem>> -> memref<128x32xf32, #tpu.memory_space<vmem>>
        %dma_start3A_584 = arith.constant 128 : i32
        %dma_start3A_585 = tpu.memref_slice %arg5[%add3A_567, %dma_start3A_584] : memref<50x512xi32, #tpu.memory_space<vmem>> -> memref<1x128xi32, #tpu.memory_space<vmem>>
        %dma_start3A_586 = tpu.memref_squeeze %dma_start3A_585 : memref<1x128xi32, #tpu.memory_space<vmem>> -> memref<128xi32, #tpu.memory_space<vmem>>
        %dma_start3A_587 = arith.constant 0 : i32
        %dma_start3A_588 = arith.constant 0 : i32
        %dma_start3A_589 = tpu.memref_slice %arg3[%dma_start3A_587, %dma_start3A_588] : memref<1000000x32xf32, #tpu.memory_space<hbm>> -> memref<1000000x32xf32, #tpu.memory_space<hbm>>
        tpu.enqueue_indirect_dma source(%dma_start3A_589 : memref<1000000x32xf32, #tpu.memory_space<hbm>>) target(%dma_start3A_583 : memref<128x32xf32, #tpu.memory_space<vmem>>) offsets(%dma_start3A_586 : memref<128xi32, #tpu.memory_space<vmem>>) semaphore(%arg10 : memref<!tpu.dma_semaphore, #tpu.memory_space<semaphore_mem>>)
        %dma_start3A_590 = arith.constant 2 : i32
        %dma_start3A_591 = arith.constant 0 : i32
        %dma_start3A_592 = arith.constant 0 : i32
        %dma_start3A_593 = tpu.memref_slice %arg6[%dma_start3A_590, %dma_start3A_591, %dma_start3A_592] : memref<4x128x32xf32, #tpu.memory_space<vmem>> -> memref<1x128x32xf32, #tpu.memory_space<vmem>>
        %dma_start3A_594 = tpu.memref_squeeze %dma_start3A_593 : memref<1x128x32xf32, #tpu.memory_space<vmem>> -> memref<128x32xf32, #tpu.memory_space<vmem>>
        %dma_start3A_595 = arith.constant 256 : i32
        %dma_start3A_596 = tpu.memref_slice %arg5[%add3A_567, %dma_start3A_595] : memref<50x512xi32, #tpu.memory_space<vmem>> -> memref<1x128xi32, #tpu.memory_space<vmem>>
        %dma_start3A_597 = tpu.memref_squeeze %dma_start3A_596 : memref<1x128xi32, #tpu.memory_space<vmem>> -> memref<128xi32, #tpu.memory_space<vmem>>
        %dma_start3A_598 = arith.constant 0 : i32
        %dma_start3A_599 = arith.constant 0 : i32
        %dma_start3A_600 = tpu.memref_slice %arg3[%dma_start3A_598, %dma_start3A_599] : memref<1000000x32xf32, #tpu.memory_space<hbm>> -> memref<1000000x32xf32, #tpu.memory_space<hbm>>
        tpu.enqueue_indirect_dma source(%dma_start3A_600 : memref<1000000x32xf32, #tpu.memory_space<hbm>>) target(%dma_start3A_594 : memref<128x32xf32, #tpu.memory_space<vmem>>) offsets(%dma_start3A_597 : memref<128xi32, #tpu.memory_space<vmem>>) semaphore(%arg10 : memref<!tpu.dma_semaphore, #tpu.memory_space<semaphore_mem>>)
        %dma_start3A_601 = arith.constant 3 : i32
        %dma_start3A_602 = arith.constant 0 : i32
        %dma_start3A_603 = arith.constant 0 : i32
        %dma_start3A_604 = tpu.memref_slice %arg6[%dma_start3A_601, %dma_start3A_602, %dma_start3A_603] : memref<4x128x32xf32, #tpu.memory_space<vmem>> -> memref<1x128x32xf32, #tpu.memory_space<vmem>>
        %dma_start3A_605 = tpu.memref_squeeze %dma_start3A_604 : memref<1x128x32xf32, #tpu.memory_space<vmem>> -> memref<128x32xf32, #tpu.memory_space<vmem>>
        %dma_start3A_606 = arith.constant 384 : i32
        %dma_start3A_607 = tpu.memref_slice %arg5[%add3A_567, %dma_start3A_606] : memref<50x512xi32, #tpu.memory_space<vmem>> -> memref<1x128xi32, #tpu.memory_space<vmem>>
        %dma_start3A_608 = tpu.memref_squeeze %dma_start3A_607 : memref<1x128xi32, #tpu.memory_space<vmem>> -> memref<128xi32, #tpu.memory_space<vmem>>
        %dma_start3A_609 = arith.constant 0 : i32
        %dma_start3A_610 = arith.constant 0 : i32
        %dma_start3A_611 = tpu.memref_slice %arg3[%dma_start3A_609, %dma_start3A_610] : memref<1000000x32xf32, #tpu.memory_space<hbm>> -> memref<1000000x32xf32, #tpu.memory_space<hbm>>
        tpu.enqueue_indirect_dma source(%dma_start3A_611 : memref<1000000x32xf32, #tpu.memory_space<hbm>>) target(%dma_start3A_605 : memref<128x32xf32, #tpu.memory_space<vmem>>) offsets(%dma_start3A_608 : memref<128xi32, #tpu.memory_space<vmem>>) semaphore(%arg10 : memref<!tpu.dma_semaphore, #tpu.memory_space<semaphore_mem>>)
      } else {
      }
      %dma_wait3A_431 = arith.constant 0 : i32
      %dma_wait3A_432 = arith.constant 0 : i32
      %dma_wait3A_433 = arith.constant 0 : i32
      %dma_wait3A_434 = tpu.memref_slice %arg7[%dma_wait3A_431, %dma_wait3A_432, %dma_wait3A_433] : memref<4x128x32xf32, #tpu.memory_space<vmem>> -> memref<1x128x32xf32, #tpu.memory_space<vmem>>
      %dma_wait3A_435 = tpu.memref_squeeze %dma_wait3A_434 : memref<1x128x32xf32, #tpu.memory_space<vmem>> -> memref<128x32xf32, #tpu.memory_space<vmem>>
      %dma_wait3A_436 = arith.constant 0 : i32
      %dma_wait3A_437 = tpu.memref_slice %arg5[%add3A_426, %dma_wait3A_436] : memref<50x512xi32, #tpu.memory_space<vmem>> -> memref<1x128xi32, #tpu.memory_space<vmem>>
      %dma_wait3A_438 = tpu.memref_squeeze %dma_wait3A_437 : memref<1x128xi32, #tpu.memory_space<vmem>> -> memref<128xi32, #tpu.memory_space<vmem>>
      %dma_wait3A_439 = arith.constant 0 : i32
      %dma_wait3A_440 = arith.constant 0 : i32
      %dma_wait3A_441 = tpu.memref_slice %arg3[%dma_wait3A_439, %dma_wait3A_440] : memref<1000000x32xf32, #tpu.memory_space<hbm>> -> memref<1000000x32xf32, #tpu.memory_space<hbm>>
      tpu.wait_indirect_dma semaphore(%arg11 : memref<!tpu.dma_semaphore, #tpu.memory_space<semaphore_mem>>) src(%dma_wait3A_441 : memref<1000000x32xf32, #tpu.memory_space<hbm>>) dst(%dma_wait3A_435 : memref<128x32xf32, #tpu.memory_space<vmem>>)
      %dma_wait3A_442 = arith.constant 1 : i32
      %dma_wait3A_443 = arith.constant 0 : i32
      %dma_wait3A_444 = arith.constant 0 : i32
      %dma_wait3A_445 = tpu.memref_slice %arg7[%dma_wait3A_442, %dma_wait3A_443, %dma_wait3A_444] : memref<4x128x32xf32, #tpu.memory_space<vmem>> -> memref<1x128x32xf32, #tpu.memory_space<vmem>>
      %dma_wait3A_446 = tpu.memref_squeeze %dma_wait3A_445 : memref<1x128x32xf32, #tpu.memory_space<vmem>> -> memref<128x32xf32, #tpu.memory_space<vmem>>
      %dma_wait3A_447 = arith.constant 128 : i32
      %dma_wait3A_448 = tpu.memref_slice %arg5[%add3A_426, %dma_wait3A_447] : memref<50x512xi32, #tpu.memory_space<vmem>> -> memref<1x128xi32, #tpu.memory_space<vmem>>
      %dma_wait3A_449 = tpu.memref_squeeze %dma_wait3A_448 : memref<1x128xi32, #tpu.memory_space<vmem>> -> memref<128xi32, #tpu.memory_space<vmem>>
      %dma_wait3A_450 = arith.constant 0 : i32
      %dma_wait3A_451 = arith.constant 0 : i32
      %dma_wait3A_452 = tpu.memref_slice %arg3[%dma_wait3A_450, %dma_wait3A_451] : memref<1000000x32xf32, #tpu.memory_space<hbm>> -> memref<1000000x32xf32, #tpu.memory_space<hbm>>
      tpu.wait_indirect_dma semaphore(%arg11 : memref<!tpu.dma_semaphore, #tpu.memory_space<semaphore_mem>>) src(%dma_wait3A_452 : memref<1000000x32xf32, #tpu.memory_space<hbm>>) dst(%dma_wait3A_446 : memref<128x32xf32, #tpu.memory_space<vmem>>)
      %dma_wait3A_453 = arith.constant 2 : i32
      %dma_wait3A_454 = arith.constant 0 : i32
      %dma_wait3A_455 = arith.constant 0 : i32
      %dma_wait3A_456 = tpu.memref_slice %arg7[%dma_wait3A_453, %dma_wait3A_454, %dma_wait3A_455] : memref<4x128x32xf32, #tpu.memory_space<vmem>> -> memref<1x128x32xf32, #tpu.memory_space<vmem>>
      %dma_wait3A_457 = tpu.memref_squeeze %dma_wait3A_456 : memref<1x128x32xf32, #tpu.memory_space<vmem>> -> memref<128x32xf32, #tpu.memory_space<vmem>>
      %dma_wait3A_458 = arith.constant 256 : i32
      %dma_wait3A_459 = tpu.memref_slice %arg5[%add3A_426, %dma_wait3A_458] : memref<50x512xi32, #tpu.memory_space<vmem>> -> memref<1x128xi32, #tpu.memory_space<vmem>>
      %dma_wait3A_460 = tpu.memref_squeeze %dma_wait3A_459 : memref<1x128xi32, #tpu.memory_space<vmem>> -> memref<128xi32, #tpu.memory_space<vmem>>
      %dma_wait3A_461 = arith.constant 0 : i32
      %dma_wait3A_462 = arith.constant 0 : i32
      %dma_wait3A_463 = tpu.memref_slice %arg3[%dma_wait3A_461, %dma_wait3A_462] : memref<1000000x32xf32, #tpu.memory_space<hbm>> -> memref<1000000x32xf32, #tpu.memory_space<hbm>>
      tpu.wait_indirect_dma semaphore(%arg11 : memref<!tpu.dma_semaphore, #tpu.memory_space<semaphore_mem>>) src(%dma_wait3A_463 : memref<1000000x32xf32, #tpu.memory_space<hbm>>) dst(%dma_wait3A_457 : memref<128x32xf32, #tpu.memory_space<vmem>>)
      %dma_wait3A_464 = arith.constant 3 : i32
      %dma_wait3A_465 = arith.constant 0 : i32
      %dma_wait3A_466 = arith.constant 0 : i32
      %dma_wait3A_467 = tpu.memref_slice %arg7[%dma_wait3A_464, %dma_wait3A_465, %dma_wait3A_466] : memref<4x128x32xf32, #tpu.memory_space<vmem>> -> memref<1x128x32xf32, #tpu.memory_space<vmem>>
      %dma_wait3A_468 = tpu.memref_squeeze %dma_wait3A_467 : memref<1x128x32xf32, #tpu.memory_space<vmem>> -> memref<128x32xf32, #tpu.memory_space<vmem>>
      %dma_wait3A_469 = arith.constant 384 : i32
      %dma_wait3A_470 = tpu.memref_slice %arg5[%add3A_426, %dma_wait3A_469] : memref<50x512xi32, #tpu.memory_space<vmem>> -> memref<1x128xi32, #tpu.memory_space<vmem>>
      %dma_wait3A_471 = tpu.memref_squeeze %dma_wait3A_470 : memref<1x128xi32, #tpu.memory_space<vmem>> -> memref<128xi32, #tpu.memory_space<vmem>>
      %dma_wait3A_472 = arith.constant 0 : i32
      %dma_wait3A_473 = arith.constant 0 : i32
      %dma_wait3A_474 = tpu.memref_slice %arg3[%dma_wait3A_472, %dma_wait3A_473] : memref<1000000x32xf32, #tpu.memory_space<hbm>> -> memref<1000000x32xf32, #tpu.memory_space<hbm>>
      tpu.wait_indirect_dma semaphore(%arg11 : memref<!tpu.dma_semaphore, #tpu.memory_space<semaphore_mem>>) src(%dma_wait3A_474 : memref<1000000x32xf32, #tpu.memory_space<hbm>>) dst(%dma_wait3A_468 : memref<128x32xf32, #tpu.memory_space<vmem>>)
      %gt3A_475 = arith.constant 0 : i32
      %gt3A_476 = arith.cmpi sgt, %scan3A_240, %gt3A_475 : i32
      %convert_element_type3A_477 = arith.extui %gt3A_476 : i1 to i32
      %cond3A_478 = arith.constant 0 : i32
      %cond3A_479 = arith.cmpi ne, %convert_element_type3A_477, %cond3A_478 : i32
      scf.if %cond3A_479 {
        %sub3A = arith.constant 2 : i32
        %sub3A_566 = arith.subi %add3A_426, %sub3A : i32
        %dma_wait3A_567 = arith.constant 0 : i32
        %dma_wait3A_568 = arith.constant 0 : i32
        %dma_wait3A_569 = arith.constant 0 : i32
        %dma_wait3A_570 = arith.constant 0 : i32
        %dma_wait3A_571 = arith.constant 0 : i32
        %dma_wait3A_572 = tpu.memref_slice %arg9[%dma_wait3A_567, %dma_wait3A_569, %dma_wait3A_570, %dma_wait3A_571] : memref<4x4x8x129xf32, #tpu.memory_space<vmem>> -> memref<1x4x8x128xf32, #tpu.memory_space<vmem>>
        %dma_wait3A_573 = tpu.memref_squeeze %dma_wait3A_572 : memref<1x4x8x128xf32, #tpu.memory_space<vmem>> -> memref<4x8x128xf32, #tpu.memory_space<vmem>>
        %dma_wait3A_574 = arith.constant 0 : i32
        %dma_wait3A_575 = arith.constant 0 : i32
        %dma_wait3A_576 = tpu.memref_slice %arg4[%sub3A_566, %dma_wait3A_568, %mul3A_4, %dma_wait3A_574, %dma_wait3A_575] : memref<50x4x128x8x128xf32, #tpu.memory_space<hbm>> -> memref<1x1x4x8x128xf32, #tpu.memory_space<hbm>>
        %dma_wait3A_577 = tpu.memref_squeeze %dma_wait3A_576 : memref<1x1x4x8x128xf32, #tpu.memory_space<hbm>> -> memref<4x8x128xf32, #tpu.memory_space<hbm>>
        %dma_wait3A_578 = arith.constant 0 : i32
        %dma_wait3A_579 = arith.constant 0 : i32
        %dma_wait3A_580 = tpu.memref_slice %arg4[%sub3A_566, %dma_wait3A_568, %mul3A_4, %dma_wait3A_578, %dma_wait3A_579] : memref<50x4x128x8x128xf32, #tpu.memory_space<hbm>> -> memref<1x1x4x8x128xf32, #tpu.memory_space<hbm>>
        %dma_wait3A_581 = tpu.memref_squeeze %dma_wait3A_580 : memref<1x1x4x8x128xf32, #tpu.memory_space<hbm>> -> memref<4x8x128xf32, #tpu.memory_space<hbm>>
        %dma_wait3A_582 = arith.constant 0 : i32
        %dma_wait3A_583 = arith.constant 0 : i32
        %dma_wait3A_584 = arith.constant 0 : i32
        %dma_wait3A_585 = tpu.memref_slice %arg9[%dma_wait3A_567, %dma_wait3A_582, %dma_wait3A_583, %dma_wait3A_584] : memref<4x4x8x129xf32, #tpu.memory_space<vmem>> -> memref<1x4x8x128xf32, #tpu.memory_space<vmem>>
        %dma_wait3A_586 = tpu.memref_squeeze %dma_wait3A_585 : memref<1x4x8x128xf32, #tpu.memory_space<vmem>> -> memref<4x8x128xf32, #tpu.memory_space<vmem>>
        tpu.wait_dma2 semaphore(%arg13 : memref<!tpu.dma_semaphore, #tpu.memory_space<semaphore_mem>>) src(%dma_wait3A_586 : memref<4x8x128xf32, #tpu.memory_space<vmem>>) dst(%dma_wait3A_581 : memref<4x8x128xf32, #tpu.memory_space<hbm>>)
        %dma_wait3A_587 = arith.constant 1 : i32
        %dma_wait3A_588 = arith.constant 1 : i32
        %dma_wait3A_589 = arith.constant 0 : i32
        %dma_wait3A_590 = arith.constant 0 : i32
        %dma_wait3A_591 = arith.constant 0 : i32
        %dma_wait3A_592 = tpu.memref_slice %arg9[%dma_wait3A_587, %dma_wait3A_589, %dma_wait3A_590, %dma_wait3A_591] : memref<4x4x8x129xf32, #tpu.memory_space<vmem>> -> memref<1x4x8x128xf32, #tpu.memory_space<vmem>>
        %dma_wait3A_593 = tpu.memref_squeeze %dma_wait3A_592 : memref<1x4x8x128xf32, #tpu.memory_space<vmem>> -> memref<4x8x128xf32, #tpu.memory_space<vmem>>
        %dma_wait3A_594 = arith.constant 0 : i32
        %dma_wait3A_595 = arith.constant 0 : i32
        %dma_wait3A_596 = tpu.memref_slice %arg4[%sub3A_566, %dma_wait3A_588, %mul3A_4, %dma_wait3A_594, %dma_wait3A_595] : memref<50x4x128x8x128xf32, #tpu.memory_space<hbm>> -> memref<1x1x4x8x128xf32, #tpu.memory_space<hbm>>
        %dma_wait3A_597 = tpu.memref_squeeze %dma_wait3A_596 : memref<1x1x4x8x128xf32, #tpu.memory_space<hbm>> -> memref<4x8x128xf32, #tpu.memory_space<hbm>>
        %dma_wait3A_598 = arith.constant 0 : i32
        %dma_wait3A_599 = arith.constant 0 : i32
        %dma_wait3A_600 = tpu.memref_slice %arg4[%sub3A_566, %dma_wait3A_588, %mul3A_4, %dma_wait3A_598, %dma_wait3A_599] : memref<50x4x128x8x128xf32, #tpu.memory_space<hbm>> -> memref<1x1x4x8x128xf32, #tpu.memory_space<hbm>>
        %dma_wait3A_601 = tpu.memref_squeeze %dma_wait3A_600 : memref<1x1x4x8x128xf32, #tpu.memory_space<hbm>> -> memref<4x8x128xf32, #tpu.memory_space<hbm>>
        %dma_wait3A_602 = arith.constant 0 : i32
        %dma_wait3A_603 = arith.constant 0 : i32
        %dma_wait3A_604 = arith.constant 0 : i32
        %dma_wait3A_605 = tpu.memref_slice %arg9[%dma_wait3A_587, %dma_wait3A_602, %dma_wait3A_603, %dma_wait3A_604] : memref<4x4x8x129xf32, #tpu.memory_space<vmem>> -> memref<1x4x8x128xf32, #tpu.memory_space<vmem>>
        %dma_wait3A_606 = tpu.memref_squeeze %dma_wait3A_605 : memref<1x4x8x128xf32, #tpu.memory_space<vmem>> -> memref<4x8x128xf32, #tpu.memory_space<vmem>>
        tpu.wait_dma2 semaphore(%arg13 : memref<!tpu.dma_semaphore, #tpu.memory_space<semaphore_mem>>) src(%dma_wait3A_606 : memref<4x8x128xf32, #tpu.memory_space<vmem>>) dst(%dma_wait3A_601 : memref<4x8x128xf32, #tpu.memory_space<hbm>>)
        %dma_wait3A_607 = arith.constant 2 : i32
        %dma_wait3A_608 = arith.constant 2 : i32
        %dma_wait3A_609 = arith.constant 0 : i32
        %dma_wait3A_610 = arith.constant 0 : i32
        %dma_wait3A_611 = arith.constant 0 : i32
        %dma_wait3A_612 = tpu.memref_slice %arg9[%dma_wait3A_607, %dma_wait3A_609, %dma_wait3A_610, %dma_wait3A_611] : memref<4x4x8x129xf32, #tpu.memory_space<vmem>> -> memref<1x4x8x128xf32, #tpu.memory_space<vmem>>
        %dma_wait3A_613 = tpu.memref_squeeze %dma_wait3A_612 : memref<1x4x8x128xf32, #tpu.memory_space<vmem>> -> memref<4x8x128xf32, #tpu.memory_space<vmem>>
        %dma_wait3A_614 = arith.constant 0 : i32
        %dma_wait3A_615 = arith.constant 0 : i32
        %dma_wait3A_616 = tpu.memref_slice %arg4[%sub3A_566, %dma_wait3A_608, %mul3A_4, %dma_wait3A_614, %dma_wait3A_615] : memref<50x4x128x8x128xf32, #tpu.memory_space<hbm>> -> memref<1x1x4x8x128xf32, #tpu.memory_space<hbm>>
        %dma_wait3A_617 = tpu.memref_squeeze %dma_wait3A_616 : memref<1x1x4x8x128xf32, #tpu.memory_space<hbm>> -> memref<4x8x128xf32, #tpu.memory_space<hbm>>
        %dma_wait3A_618 = arith.constant 0 : i32
        %dma_wait3A_619 = arith.constant 0 : i32
        %dma_wait3A_620 = tpu.memref_slice %arg4[%sub3A_566, %dma_wait3A_608, %mul3A_4, %dma_wait3A_618, %dma_wait3A_619] : memref<50x4x128x8x128xf32, #tpu.memory_space<hbm>> -> memref<1x1x4x8x128xf32, #tpu.memory_space<hbm>>
        %dma_wait3A_621 = tpu.memref_squeeze %dma_wait3A_620 : memref<1x1x4x8x128xf32, #tpu.memory_space<hbm>> -> memref<4x8x128xf32, #tpu.memory_space<hbm>>
        %dma_wait3A_622 = arith.constant 0 : i32
        %dma_wait3A_623 = arith.constant 0 : i32
        %dma_wait3A_624 = arith.constant 0 : i32
        %dma_wait3A_625 = tpu.memref_slice %arg9[%dma_wait3A_607, %dma_wait3A_622, %dma_wait3A_623, %dma_wait3A_624] : memref<4x4x8x129xf32, #tpu.memory_space<vmem>> -> memref<1x4x8x128xf32, #tpu.memory_space<vmem>>
        %dma_wait3A_626 = tpu.memref_squeeze %dma_wait3A_625 : memref<1x4x8x128xf32, #tpu.memory_space<vmem>> -> memref<4x8x128xf32, #tpu.memory_space<vmem>>
        tpu.wait_dma2 semaphore(%arg13 : memref<!tpu.dma_semaphore, #tpu.memory_space<semaphore_mem>>) src(%dma_wait3A_626 : memref<4x8x128xf32, #tpu.memory_space<vmem>>) dst(%dma_wait3A_621 : memref<4x8x128xf32, #tpu.memory_space<hbm>>)
        %dma_wait3A_627 = arith.constant 3 : i32
        %dma_wait3A_628 = arith.constant 3 : i32
        %dma_wait3A_629 = arith.constant 0 : i32
        %dma_wait3A_630 = arith.constant 0 : i32
        %dma_wait3A_631 = arith.constant 0 : i32
        %dma_wait3A_632 = tpu.memref_slice %arg9[%dma_wait3A_627, %dma_wait3A_629, %dma_wait3A_630, %dma_wait3A_631] : memref<4x4x8x129xf32, #tpu.memory_space<vmem>> -> memref<1x4x8x128xf32, #tpu.memory_space<vmem>>
        %dma_wait3A_633 = tpu.memref_squeeze %dma_wait3A_632 : memref<1x4x8x128xf32, #tpu.memory_space<vmem>> -> memref<4x8x128xf32, #tpu.memory_space<vmem>>
        %dma_wait3A_634 = arith.constant 0 : i32
        %dma_wait3A_635 = arith.constant 0 : i32
        %dma_wait3A_636 = tpu.memref_slice %arg4[%sub3A_566, %dma_wait3A_628, %mul3A_4, %dma_wait3A_634, %dma_wait3A_635] : memref<50x4x128x8x128xf32, #tpu.memory_space<hbm>> -> memref<1x1x4x8x128xf32, #tpu.memory_space<hbm>>
        %dma_wait3A_637 = tpu.memref_squeeze %dma_wait3A_636 : memref<1x1x4x8x128xf32, #tpu.memory_space<hbm>> -> memref<4x8x128xf32, #tpu.memory_space<hbm>>
        %dma_wait3A_638 = arith.constant 0 : i32
        %dma_wait3A_639 = arith.constant 0 : i32
        %dma_wait3A_640 = tpu.memref_slice %arg4[%sub3A_566, %dma_wait3A_628, %mul3A_4, %dma_wait3A_638, %dma_wait3A_639] : memref<50x4x128x8x128xf32, #tpu.memory_space<hbm>> -> memref<1x1x4x8x128xf32, #tpu.memory_space<hbm>>
        %dma_wait3A_641 = tpu.memref_squeeze %dma_wait3A_640 : memref<1x1x4x8x128xf32, #tpu.memory_space<hbm>> -> memref<4x8x128xf32, #tpu.memory_space<hbm>>
        %dma_wait3A_642 = arith.constant 0 : i32
        %dma_wait3A_643 = arith.constant 0 : i32
        %dma_wait3A_644 = arith.constant 0 : i32
        %dma_wait3A_645 = tpu.memref_slice %arg9[%dma_wait3A_627, %dma_wait3A_642, %dma_wait3A_643, %dma_wait3A_644] : memref<4x4x8x129xf32, #tpu.memory_space<vmem>> -> memref<1x4x8x128xf32, #tpu.memory_space<vmem>>
        %dma_wait3A_646 = tpu.memref_squeeze %dma_wait3A_645 : memref<1x4x8x128xf32, #tpu.memory_space<vmem>> -> memref<4x8x128xf32, #tpu.memory_space<vmem>>
        tpu.wait_dma2 semaphore(%arg13 : memref<!tpu.dma_semaphore, #tpu.memory_space<semaphore_mem>>) src(%dma_wait3A_646 : memref<4x8x128xf32, #tpu.memory_space<vmem>>) dst(%dma_wait3A_641 : memref<4x8x128xf32, #tpu.memory_space<hbm>>)
      } else {
      }
      %scan3A_480 = arith.constant 0 : i32
      %scan3A_481 = arith.constant 0 : i32
      %scan3A_482 = arith.constant 32 : i32
      %scan3A_483 = arith.addi %scan3A_481, %scan3A_482 : i32
      %scan3A_484 = arith.constant 1 : i32
      scf.for %scan3A_566 = %scan3A_481 to %scan3A_483 step %scan3A_484  : i32 {
        %mul3A_567 = arith.constant 4 : i32
        %mul3A_568 = arith.muli %scan3A_566, %mul3A_567 : i32
        %add3A_569 = arith.constant 0 : i32
        %add3A_570 = arith.addi %mul3A_568, %add3A_569 : i32
        %add3A_571 = vector.broadcast %add3A_570 : i32 to vector<16xi32>
        %add3A_572 = arith.addi %broadcast_in_dim3A_20, %add3A_571 : vector<16xi32>
        %get3A = arith.constant 0 : i32
        %get3A_573 = arith.index_cast %get3A : i32 to index
        %get3A_574 = arith.index_cast %add3A_570 : i32 to index
        %get3A_575 = arith.constant 0 : index
        %get3A_576 = tpu.vector_load %arg7[%get3A_573, %get3A_574, %get3A_575] {strides = array<i32>} : memref<4x128x32xf32, #tpu.memory_space<vmem>>, vector<16xf32>,
        %get3A_577 = arith.constant 0 : i32
        %get3A_578 = arith.index_cast %get3A_577 : i32 to index
        %get3A_579 = arith.index_cast %add3A_570 : i32 to index
        %get3A_580 = arith.constant 16 : index
        %get3A_581 = tpu.vector_load %arg7[%get3A_578, %get3A_579, %get3A_580] {strides = array<i32>} : memref<4x128x32xf32, #tpu.memory_space<vmem>>, vector<16xf32>,
        tpu.vector_store_idx %arg9[%shift_right_logical3A_6, %broadcast_in_dim3A_9, %and3A_8, %add3A_572], %get3A_576 : memref<4x4x8x129xf32, #tpu.memory_space<vmem>>[vector<16xi32>, vector<16xi32>, vector<16xi32>, vector<16xi32>], vector<16xf32>,
        tpu.vector_store_idx %arg9[%add3A_18, %broadcast_in_dim3A_9, %and3A_8, %add3A_572], %get3A_581 : memref<4x4x8x129xf32, #tpu.memory_space<vmem>>[vector<16xi32>, vector<16xi32>, vector<16xi32>, vector<16xi32>], vector<16xf32>,
        %get3A_582 = arith.constant 1 : i32
        %get3A_583 = arith.index_cast %get3A_582 : i32 to index
        %get3A_584 = arith.index_cast %add3A_570 : i32 to index
        %get3A_585 = arith.constant 0 : index
        %get3A_586 = tpu.vector_load %arg7[%get3A_583, %get3A_584, %get3A_585] {strides = array<i32>} : memref<4x128x32xf32, #tpu.memory_space<vmem>>, vector<16xf32>,
        %get3A_587 = arith.constant 1 : i32
        %get3A_588 = arith.index_cast %get3A_587 : i32 to index
        %get3A_589 = arith.index_cast %add3A_570 : i32 to index
        %get3A_590 = arith.constant 16 : index
        %get3A_591 = tpu.vector_load %arg7[%get3A_588, %get3A_589, %get3A_590] {strides = array<i32>} : memref<4x128x32xf32, #tpu.memory_space<vmem>>, vector<16xf32>,
        tpu.vector_store_idx %arg9[%shift_right_logical3A_6, %broadcast_in_dim3A_11, %and3A_8, %add3A_572], %get3A_586 : memref<4x4x8x129xf32, #tpu.memory_space<vmem>>[vector<16xi32>, vector<16xi32>, vector<16xi32>, vector<16xi32>], vector<16xf32>,
        tpu.vector_store_idx %arg9[%add3A_18, %broadcast_in_dim3A_11, %and3A_8, %add3A_572], %get3A_591 : memref<4x4x8x129xf32, #tpu.memory_space<vmem>>[vector<16xi32>, vector<16xi32>, vector<16xi32>, vector<16xi32>], vector<16xf32>,
        %get3A_592 = arith.constant 2 : i32
        %get3A_593 = arith.index_cast %get3A_592 : i32 to index
        %get3A_594 = arith.index_cast %add3A_570 : i32 to index
        %get3A_595 = arith.constant 0 : index
        %get3A_596 = tpu.vector_load %arg7[%get3A_593, %get3A_594, %get3A_595] {strides = array<i32>} : memref<4x128x32xf32, #tpu.memory_space<vmem>>, vector<16xf32>,
        %get3A_597 = arith.constant 2 : i32
        %get3A_598 = arith.index_cast %get3A_597 : i32 to index
        %get3A_599 = arith.index_cast %add3A_570 : i32 to index
        %get3A_600 = arith.constant 16 : index
        %get3A_601 = tpu.vector_load %arg7[%get3A_598, %get3A_599, %get3A_600] {strides = array<i32>} : memref<4x128x32xf32, #tpu.memory_space<vmem>>, vector<16xf32>,
        tpu.vector_store_idx %arg9[%shift_right_logical3A_6, %broadcast_in_dim3A_13, %and3A_8, %add3A_572], %get3A_596 : memref<4x4x8x129xf32, #tpu.memory_space<vmem>>[vector<16xi32>, vector<16xi32>, vector<16xi32>, vector<16xi32>], vector<16xf32>,
        tpu.vector_store_idx %arg9[%add3A_18, %broadcast_in_dim3A_13, %and3A_8, %add3A_572], %get3A_601 : memref<4x4x8x129xf32, #tpu.memory_space<vmem>>[vector<16xi32>, vector<16xi32>, vector<16xi32>, vector<16xi32>], vector<16xf32>,
        %get3A_602 = arith.constant 3 : i32
        %get3A_603 = arith.index_cast %get3A_602 : i32 to index
        %get3A_604 = arith.index_cast %add3A_570 : i32 to index
        %get3A_605 = arith.constant 0 : index
        %get3A_606 = tpu.vector_load %arg7[%get3A_603, %get3A_604, %get3A_605] {strides = array<i32>} : memref<4x128x32xf32, #tpu.memory_space<vmem>>, vector<16xf32>,
        %get3A_607 = arith.constant 3 : i32
        %get3A_608 = arith.index_cast %get3A_607 : i32 to index
        %get3A_609 = arith.index_cast %add3A_570 : i32 to index
        %get3A_610 = arith.constant 16 : index
        %get3A_611 = tpu.vector_load %arg7[%get3A_608, %get3A_609, %get3A_610] {strides = array<i32>} : memref<4x128x32xf32, #tpu.memory_space<vmem>>, vector<16xf32>,
        tpu.vector_store_idx %arg9[%shift_right_logical3A_6, %broadcast_in_dim3A_15, %and3A_8, %add3A_572], %get3A_606 : memref<4x4x8x129xf32, #tpu.memory_space<vmem>>[vector<16xi32>, vector<16xi32>, vector<16xi32>, vector<16xi32>], vector<16xf32>,
        tpu.vector_store_idx %arg9[%add3A_18, %broadcast_in_dim3A_15, %and3A_8, %add3A_572], %get3A_611 : memref<4x4x8x129xf32, #tpu.memory_space<vmem>>[vector<16xi32>, vector<16xi32>, vector<16xi32>, vector<16xi32>], vector<16xf32>,
        %mul3A_612 = arith.constant 4 : i32
        %mul3A_613 = arith.muli %scan3A_566, %mul3A_612 : i32
        %add3A_614 = arith.constant 1 : i32
        %add3A_615 = arith.addi %mul3A_613, %add3A_614 : i32
        %add3A_616 = vector.broadcast %add3A_615 : i32 to vector<16xi32>
        %add3A_617 = arith.addi %broadcast_in_dim3A_20, %add3A_616 : vector<16xi32>
        %get3A_618 = arith.constant 0 : i32
        %get3A_619 = arith.index_cast %get3A_618 : i32 to index
        %get3A_620 = arith.index_cast %add3A_615 : i32 to index
        %get3A_621 = arith.constant 0 : index
        %get3A_622 = tpu.vector_load %arg7[%get3A_619, %get3A_620, %get3A_621] {strides = array<i32>} : memref<4x128x32xf32, #tpu.memory_space<vmem>>, vector<16xf32>,
        %get3A_623 = arith.constant 0 : i32
        %get3A_624 = arith.index_cast %get3A_623 : i32 to index
        %get3A_625 = arith.index_cast %add3A_615 : i32 to index
        %get3A_626 = arith.constant 16 : index
        %get3A_627 = tpu.vector_load %arg7[%get3A_624, %get3A_625, %get3A_626] {strides = array<i32>} : memref<4x128x32xf32, #tpu.memory_space<vmem>>, vector<16xf32>,
        tpu.vector_store_idx %arg9[%shift_right_logical3A_6, %broadcast_in_dim3A_9, %and3A_8, %add3A_617], %get3A_622 : memref<4x4x8x129xf32, #tpu.memory_space<vmem>>[vector<16xi32>, vector<16xi32>, vector<16xi32>, vector<16xi32>], vector<16xf32>,
        tpu.vector_store_idx %arg9[%add3A_18, %broadcast_in_dim3A_9, %and3A_8, %add3A_617], %get3A_627 : memref<4x4x8x129xf32, #tpu.memory_space<vmem>>[vector<16xi32>, vector<16xi32>, vector<16xi32>, vector<16xi32>], vector<16xf32>,
        %get3A_628 = arith.constant 1 : i32
        %get3A_629 = arith.index_cast %get3A_628 : i32 to index
        %get3A_630 = arith.index_cast %add3A_615 : i32 to index
        %get3A_631 = arith.constant 0 : index
        %get3A_632 = tpu.vector_load %arg7[%get3A_629, %get3A_630, %get3A_631] {strides = array<i32>} : memref<4x128x32xf32, #tpu.memory_space<vmem>>, vector<16xf32>,
        %get3A_633 = arith.constant 1 : i32
        %get3A_634 = arith.index_cast %get3A_633 : i32 to index
        %get3A_635 = arith.index_cast %add3A_615 : i32 to index
        %get3A_636 = arith.constant 16 : index
        %get3A_637 = tpu.vector_load %arg7[%get3A_634, %get3A_635, %get3A_636] {strides = array<i32>} : memref<4x128x32xf32, #tpu.memory_space<vmem>>, vector<16xf32>,
        tpu.vector_store_idx %arg9[%shift_right_logical3A_6, %broadcast_in_dim3A_11, %and3A_8, %add3A_617], %get3A_632 : memref<4x4x8x129xf32, #tpu.memory_space<vmem>>[vector<16xi32>, vector<16xi32>, vector<16xi32>, vector<16xi32>], vector<16xf32>,
        tpu.vector_store_idx %arg9[%add3A_18, %broadcast_in_dim3A_11, %and3A_8, %add3A_617], %get3A_637 : memref<4x4x8x129xf32, #tpu.memory_space<vmem>>[vector<16xi32>, vector<16xi32>, vector<16xi32>, vector<16xi32>], vector<16xf32>,
        %get3A_638 = arith.constant 2 : i32
        %get3A_639 = arith.index_cast %get3A_638 : i32 to index
        %get3A_640 = arith.index_cast %add3A_615 : i32 to index
        %get3A_641 = arith.constant 0 : index
        %get3A_642 = tpu.vector_load %arg7[%get3A_639, %get3A_640, %get3A_641] {strides = array<i32>} : memref<4x128x32xf32, #tpu.memory_space<vmem>>, vector<16xf32>,
        %get3A_643 = arith.constant 2 : i32
        %get3A_644 = arith.index_cast %get3A_643 : i32 to index
        %get3A_645 = arith.index_cast %add3A_615 : i32 to index
        %get3A_646 = arith.constant 16 : index
        %get3A_647 = tpu.vector_load %arg7[%get3A_644, %get3A_645, %get3A_646] {strides = array<i32>} : memref<4x128x32xf32, #tpu.memory_space<vmem>>, vector<16xf32>,
        tpu.vector_store_idx %arg9[%shift_right_logical3A_6, %broadcast_in_dim3A_13, %and3A_8, %add3A_617], %get3A_642 : memref<4x4x8x129xf32, #tpu.memory_space<vmem>>[vector<16xi32>, vector<16xi32>, vector<16xi32>, vector<16xi32>], vector<16xf32>,
        tpu.vector_store_idx %arg9[%add3A_18, %broadcast_in_dim3A_13, %and3A_8, %add3A_617], %get3A_647 : memref<4x4x8x129xf32, #tpu.memory_space<vmem>>[vector<16xi32>, vector<16xi32>, vector<16xi32>, vector<16xi32>], vector<16xf32>,
        %get3A_648 = arith.constant 3 : i32
        %get3A_649 = arith.index_cast %get3A_648 : i32 to index
        %get3A_650 = arith.index_cast %add3A_615 : i32 to index
        %get3A_651 = arith.constant 0 : index
        %get3A_652 = tpu.vector_load %arg7[%get3A_649, %get3A_650, %get3A_651] {strides = array<i32>} : memref<4x128x32xf32, #tpu.memory_space<vmem>>, vector<16xf32>,
        %get3A_653 = arith.constant 3 : i32
        %get3A_654 = arith.index_cast %get3A_653 : i32 to index
        %get3A_655 = arith.index_cast %add3A_615 : i32 to index
        %get3A_656 = arith.constant 16 : index
        %get3A_657 = tpu.vector_load %arg7[%get3A_654, %get3A_655, %get3A_656] {strides = array<i32>} : memref<4x128x32xf32, #tpu.memory_space<vmem>>, vector<16xf32>,
        tpu.vector_store_idx %arg9[%shift_right_logical3A_6, %broadcast_in_dim3A_15, %and3A_8, %add3A_617], %get3A_652 : memref<4x4x8x129xf32, #tpu.memory_space<vmem>>[vector<16xi32>, vector<16xi32>, vector<16xi32>, vector<16xi32>], vector<16xf32>,
        tpu.vector_store_idx %arg9[%add3A_18, %broadcast_in_dim3A_15, %and3A_8, %add3A_617], %get3A_657 : memref<4x4x8x129xf32, #tpu.memory_space<vmem>>[vector<16xi32>, vector<16xi32>, vector<16xi32>, vector<16xi32>], vector<16xf32>,
        %mul3A_658 = arith.constant 4 : i32
        %mul3A_659 = arith.muli %scan3A_566, %mul3A_658 : i32
        %add3A_660 = arith.constant 2 : i32
        %add3A_661 = arith.addi %mul3A_659, %add3A_660 : i32
        %add3A_662 = vector.broadcast %add3A_661 : i32 to vector<16xi32>
        %add3A_663 = arith.addi %broadcast_in_dim3A_20, %add3A_662 : vector<16xi32>
        %get3A_664 = arith.constant 0 : i32
        %get3A_665 = arith.index_cast %get3A_664 : i32 to index
        %get3A_666 = arith.index_cast %add3A_661 : i32 to index
        %get3A_667 = arith.constant 0 : index
        %get3A_668 = tpu.vector_load %arg7[%get3A_665, %get3A_666, %get3A_667] {strides = array<i32>} : memref<4x128x32xf32, #tpu.memory_space<vmem>>, vector<16xf32>,
        %get3A_669 = arith.constant 0 : i32
        %get3A_670 = arith.index_cast %get3A_669 : i32 to index
        %get3A_671 = arith.index_cast %add3A_661 : i32 to index
        %get3A_672 = arith.constant 16 : index
        %get3A_673 = tpu.vector_load %arg7[%get3A_670, %get3A_671, %get3A_672] {strides = array<i32>} : memref<4x128x32xf32, #tpu.memory_space<vmem>>, vector<16xf32>,
        tpu.vector_store_idx %arg9[%shift_right_logical3A_6, %broadcast_in_dim3A_9, %and3A_8, %add3A_663], %get3A_668 : memref<4x4x8x129xf32, #tpu.memory_space<vmem>>[vector<16xi32>, vector<16xi32>, vector<16xi32>, vector<16xi32>], vector<16xf32>,
        tpu.vector_store_idx %arg9[%add3A_18, %broadcast_in_dim3A_9, %and3A_8, %add3A_663], %get3A_673 : memref<4x4x8x129xf32, #tpu.memory_space<vmem>>[vector<16xi32>, vector<16xi32>, vector<16xi32>, vector<16xi32>], vector<16xf32>,
        %get3A_674 = arith.constant 1 : i32
        %get3A_675 = arith.index_cast %get3A_674 : i32 to index
        %get3A_676 = arith.index_cast %add3A_661 : i32 to index
        %get3A_677 = arith.constant 0 : index
        %get3A_678 = tpu.vector_load %arg7[%get3A_675, %get3A_676, %get3A_677] {strides = array<i32>} : memref<4x128x32xf32, #tpu.memory_space<vmem>>, vector<16xf32>,
        %get3A_679 = arith.constant 1 : i32
        %get3A_680 = arith.index_cast %get3A_679 : i32 to index
        %get3A_681 = arith.index_cast %add3A_661 : i32 to index
        %get3A_682 = arith.constant 16 : index
        %get3A_683 = tpu.vector_load %arg7[%get3A_680, %get3A_681, %get3A_682] {strides = array<i32>} : memref<4x128x32xf32, #tpu.memory_space<vmem>>, vector<16xf32>,
        tpu.vector_store_idx %arg9[%shift_right_logical3A_6, %broadcast_in_dim3A_11, %and3A_8, %add3A_663], %get3A_678 : memref<4x4x8x129xf32, #tpu.memory_space<vmem>>[vector<16xi32>, vector<16xi32>, vector<16xi32>, vector<16xi32>], vector<16xf32>,
        tpu.vector_store_idx %arg9[%add3A_18, %broadcast_in_dim3A_11, %and3A_8, %add3A_663], %get3A_683 : memref<4x4x8x129xf32, #tpu.memory_space<vmem>>[vector<16xi32>, vector<16xi32>, vector<16xi32>, vector<16xi32>], vector<16xf32>,
        %get3A_684 = arith.constant 2 : i32
        %get3A_685 = arith.index_cast %get3A_684 : i32 to index
        %get3A_686 = arith.index_cast %add3A_661 : i32 to index
        %get3A_687 = arith.constant 0 : index
        %get3A_688 = tpu.vector_load %arg7[%get3A_685, %get3A_686, %get3A_687] {strides = array<i32>} : memref<4x128x32xf32, #tpu.memory_space<vmem>>, vector<16xf32>,
        %get3A_689 = arith.constant 2 : i32
        %get3A_690 = arith.index_cast %get3A_689 : i32 to index
        %get3A_691 = arith.index_cast %add3A_661 : i32 to index
        %get3A_692 = arith.constant 16 : index
        %get3A_693 = tpu.vector_load %arg7[%get3A_690, %get3A_691, %get3A_692] {strides = array<i32>} : memref<4x128x32xf32, #tpu.memory_space<vmem>>, vector<16xf32>,
        tpu.vector_store_idx %arg9[%shift_right_logical3A_6, %broadcast_in_dim3A_13, %and3A_8, %add3A_663], %get3A_688 : memref<4x4x8x129xf32, #tpu.memory_space<vmem>>[vector<16xi32>, vector<16xi32>, vector<16xi32>, vector<16xi32>], vector<16xf32>,
        tpu.vector_store_idx %arg9[%add3A_18, %broadcast_in_dim3A_13, %and3A_8, %add3A_663], %get3A_693 : memref<4x4x8x129xf32, #tpu.memory_space<vmem>>[vector<16xi32>, vector<16xi32>, vector<16xi32>, vector<16xi32>], vector<16xf32>,
        %get3A_694 = arith.constant 3 : i32
        %get3A_695 = arith.index_cast %get3A_694 : i32 to index
        %get3A_696 = arith.index_cast %add3A_661 : i32 to index
        %get3A_697 = arith.constant 0 : index
        %get3A_698 = tpu.vector_load %arg7[%get3A_695, %get3A_696, %get3A_697] {strides = array<i32>} : memref<4x128x32xf32, #tpu.memory_space<vmem>>, vector<16xf32>,
        %get3A_699 = arith.constant 3 : i32
        %get3A_700 = arith.index_cast %get3A_699 : i32 to index
        %get3A_701 = arith.index_cast %add3A_661 : i32 to index
        %get3A_702 = arith.constant 16 : index
        %get3A_703 = tpu.vector_load %arg7[%get3A_700, %get3A_701, %get3A_702] {strides = array<i32>} : memref<4x128x32xf32, #tpu.memory_space<vmem>>, vector<16xf32>,
        tpu.vector_store_idx %arg9[%shift_right_logical3A_6, %broadcast_in_dim3A_15, %and3A_8, %add3A_663], %get3A_698 : memref<4x4x8x129xf32, #tpu.memory_space<vmem>>[vector<16xi32>, vector<16xi32>, vector<16xi32>, vector<16xi32>], vector<16xf32>,
        tpu.vector_store_idx %arg9[%add3A_18, %broadcast_in_dim3A_15, %and3A_8, %add3A_663], %get3A_703 : memref<4x4x8x129xf32, #tpu.memory_space<vmem>>[vector<16xi32>, vector<16xi32>, vector<16xi32>, vector<16xi32>], vector<16xf32>,
        %mul3A_704 = arith.constant 4 : i32
        %mul3A_705 = arith.muli %scan3A_566, %mul3A_704 : i32
        %add3A_706 = arith.constant 3 : i32
        %add3A_707 = arith.addi %mul3A_705, %add3A_706 : i32
        %add3A_708 = vector.broadcast %add3A_707 : i32 to vector<16xi32>
        %add3A_709 = arith.addi %broadcast_in_dim3A_20, %add3A_708 : vector<16xi32>
        %get3A_710 = arith.constant 0 : i32
        %get3A_711 = arith.index_cast %get3A_710 : i32 to index
        %get3A_712 = arith.index_cast %add3A_707 : i32 to index
        %get3A_713 = arith.constant 0 : index
        %get3A_714 = tpu.vector_load %arg7[%get3A_711, %get3A_712, %get3A_713] {strides = array<i32>} : memref<4x128x32xf32, #tpu.memory_space<vmem>>, vector<16xf32>,
        %get3A_715 = arith.constant 0 : i32
        %get3A_716 = arith.index_cast %get3A_715 : i32 to index
        %get3A_717 = arith.index_cast %add3A_707 : i32 to index
        %get3A_718 = arith.constant 16 : index
        %get3A_719 = tpu.vector_load %arg7[%get3A_716, %get3A_717, %get3A_718] {strides = array<i32>} : memref<4x128x32xf32, #tpu.memory_space<vmem>>, vector<16xf32>,
        tpu.vector_store_idx %arg9[%shift_right_logical3A_6, %broadcast_in_dim3A_9, %and3A_8, %add3A_709], %get3A_714 : memref<4x4x8x129xf32, #tpu.memory_space<vmem>>[vector<16xi32>, vector<16xi32>, vector<16xi32>, vector<16xi32>], vector<16xf32>,
        tpu.vector_store_idx %arg9[%add3A_18, %broadcast_in_dim3A_9, %and3A_8, %add3A_709], %get3A_719 : memref<4x4x8x129xf32, #tpu.memory_space<vmem>>[vector<16xi32>, vector<16xi32>, vector<16xi32>, vector<16xi32>], vector<16xf32>,
        %get3A_720 = arith.constant 1 : i32
        %get3A_721 = arith.index_cast %get3A_720 : i32 to index
        %get3A_722 = arith.index_cast %add3A_707 : i32 to index
        %get3A_723 = arith.constant 0 : index
        %get3A_724 = tpu.vector_load %arg7[%get3A_721, %get3A_722, %get3A_723] {strides = array<i32>} : memref<4x128x32xf32, #tpu.memory_space<vmem>>, vector<16xf32>,
        %get3A_725 = arith.constant 1 : i32
        %get3A_726 = arith.index_cast %get3A_725 : i32 to index
        %get3A_727 = arith.index_cast %add3A_707 : i32 to index
        %get3A_728 = arith.constant 16 : index
        %get3A_729 = tpu.vector_load %arg7[%get3A_726, %get3A_727, %get3A_728] {strides = array<i32>} : memref<4x128x32xf32, #tpu.memory_space<vmem>>, vector<16xf32>,
        tpu.vector_store_idx %arg9[%shift_right_logical3A_6, %broadcast_in_dim3A_11, %and3A_8, %add3A_709], %get3A_724 : memref<4x4x8x129xf32, #tpu.memory_space<vmem>>[vector<16xi32>, vector<16xi32>, vector<16xi32>, vector<16xi32>], vector<16xf32>,
        tpu.vector_store_idx %arg9[%add3A_18, %broadcast_in_dim3A_11, %and3A_8, %add3A_709], %get3A_729 : memref<4x4x8x129xf32, #tpu.memory_space<vmem>>[vector<16xi32>, vector<16xi32>, vector<16xi32>, vector<16xi32>], vector<16xf32>,
        %get3A_730 = arith.constant 2 : i32
        %get3A_731 = arith.index_cast %get3A_730 : i32 to index
        %get3A_732 = arith.index_cast %add3A_707 : i32 to index
        %get3A_733 = arith.constant 0 : index
        %get3A_734 = tpu.vector_load %arg7[%get3A_731, %get3A_732, %get3A_733] {strides = array<i32>} : memref<4x128x32xf32, #tpu.memory_space<vmem>>, vector<16xf32>,
        %get3A_735 = arith.constant 2 : i32
        %get3A_736 = arith.index_cast %get3A_735 : i32 to index
        %get3A_737 = arith.index_cast %add3A_707 : i32 to index
        %get3A_738 = arith.constant 16 : index
        %get3A_739 = tpu.vector_load %arg7[%get3A_736, %get3A_737, %get3A_738] {strides = array<i32>} : memref<4x128x32xf32, #tpu.memory_space<vmem>>, vector<16xf32>,
        tpu.vector_store_idx %arg9[%shift_right_logical3A_6, %broadcast_in_dim3A_13, %and3A_8, %add3A_709], %get3A_734 : memref<4x4x8x129xf32, #tpu.memory_space<vmem>>[vector<16xi32>, vector<16xi32>, vector<16xi32>, vector<16xi32>], vector<16xf32>,
        tpu.vector_store_idx %arg9[%add3A_18, %broadcast_in_dim3A_13, %and3A_8, %add3A_709], %get3A_739 : memref<4x4x8x129xf32, #tpu.memory_space<vmem>>[vector<16xi32>, vector<16xi32>, vector<16xi32>, vector<16xi32>], vector<16xf32>,
        %get3A_740 = arith.constant 3 : i32
        %get3A_741 = arith.index_cast %get3A_740 : i32 to index
        %get3A_742 = arith.index_cast %add3A_707 : i32 to index
        %get3A_743 = arith.constant 0 : index
        %get3A_744 = tpu.vector_load %arg7[%get3A_741, %get3A_742, %get3A_743] {strides = array<i32>} : memref<4x128x32xf32, #tpu.memory_space<vmem>>, vector<16xf32>,
        %get3A_745 = arith.constant 3 : i32
        %get3A_746 = arith.index_cast %get3A_745 : i32 to index
        %get3A_747 = arith.index_cast %add3A_707 : i32 to index
        %get3A_748 = arith.constant 16 : index
        %get3A_749 = tpu.vector_load %arg7[%get3A_746, %get3A_747, %get3A_748] {strides = array<i32>} : memref<4x128x32xf32, #tpu.memory_space<vmem>>, vector<16xf32>,
        tpu.vector_store_idx %arg9[%shift_right_logical3A_6, %broadcast_in_dim3A_15, %and3A_8, %add3A_709], %get3A_744 : memref<4x4x8x129xf32, #tpu.memory_space<vmem>>[vector<16xi32>, vector<16xi32>, vector<16xi32>, vector<16xi32>], vector<16xf32>,
        tpu.vector_store_idx %arg9[%add3A_18, %broadcast_in_dim3A_15, %and3A_8, %add3A_709], %get3A_749 : memref<4x4x8x129xf32, #tpu.memory_space<vmem>>[vector<16xi32>, vector<16xi32>, vector<16xi32>, vector<16xi32>], vector<16xf32>,
      }
      %scan3A_485 = arith.constant 32 : i32
      %dma_start3A_486 = arith.constant 0 : i32
      %dma_start3A_487 = arith.constant 0 : i32
      %dma_start3A_488 = arith.constant 0 : i32
      %dma_start3A_489 = arith.constant 0 : i32
      %dma_start3A_490 = arith.constant 0 : i32
      %dma_start3A_491 = tpu.memref_slice %arg9[%dma_start3A_486, %dma_start3A_488, %dma_start3A_489, %dma_start3A_490] : memref<4x4x8x129xf32, #tpu.memory_space<vmem>> -> memref<1x4x8x128xf32, #tpu.memory_space<vmem>>
      %dma_start3A_492 = tpu.memref_squeeze %dma_start3A_491 : memref<1x4x8x128xf32, #tpu.memory_space<vmem>> -> memref<4x8x128xf32, #tpu.memory_space<vmem>>
      %dma_start3A_493 = arith.constant 0 : i32
      %dma_start3A_494 = arith.constant 0 : i32
      %dma_start3A_495 = tpu.memref_slice %arg4[%add3A_426, %dma_start3A_487, %mul3A_4, %dma_start3A_493, %dma_start3A_494] : memref<50x4x128x8x128xf32, #tpu.memory_space<hbm>> -> memref<1x1x4x8x128xf32, #tpu.memory_space<hbm>>
      %dma_start3A_496 = tpu.memref_squeeze %dma_start3A_495 : memref<1x1x4x8x128xf32, #tpu.memory_space<hbm>> -> memref<4x8x128xf32, #tpu.memory_space<hbm>>
      %dma_start3A_497 = arith.constant 0 : i32
      %dma_start3A_498 = arith.constant 0 : i32
      %dma_start3A_499 = tpu.memref_slice %arg4[%add3A_426, %dma_start3A_487, %mul3A_4, %dma_start3A_497, %dma_start3A_498] : memref<50x4x128x8x128xf32, #tpu.memory_space<hbm>> -> memref<1x1x4x8x128xf32, #tpu.memory_space<hbm>>
      %dma_start3A_500 = tpu.memref_squeeze %dma_start3A_499 : memref<1x1x4x8x128xf32, #tpu.memory_space<hbm>> -> memref<4x8x128xf32, #tpu.memory_space<hbm>>
      %dma_start3A_501 = arith.constant 0 : i32
      %dma_start3A_502 = arith.constant 0 : i32
      %dma_start3A_503 = arith.constant 0 : i32
      %dma_start3A_504 = tpu.memref_slice %arg9[%dma_start3A_486, %dma_start3A_501, %dma_start3A_502, %dma_start3A_503] : memref<4x4x8x129xf32, #tpu.memory_space<vmem>> -> memref<1x4x8x128xf32, #tpu.memory_space<vmem>>
      %dma_start3A_505 = tpu.memref_squeeze %dma_start3A_504 : memref<1x4x8x128xf32, #tpu.memory_space<vmem>> -> memref<4x8x128xf32, #tpu.memory_space<vmem>>
      tpu.enqueue_dma source(%dma_start3A_505 : memref<4x8x128xf32, #tpu.memory_space<vmem>>) target(%dma_start3A_500 : memref<4x8x128xf32, #tpu.memory_space<hbm>>) target_semaphore(%arg13 : memref<!tpu.dma_semaphore, #tpu.memory_space<semaphore_mem>>)
      %dma_start3A_506 = arith.constant 1 : i32
      %dma_start3A_507 = arith.constant 1 : i32
      %dma_start3A_508 = arith.constant 0 : i32
      %dma_start3A_509 = arith.constant 0 : i32
      %dma_start3A_510 = arith.constant 0 : i32
      %dma_start3A_511 = tpu.memref_slice %arg9[%dma_start3A_506, %dma_start3A_508, %dma_start3A_509, %dma_start3A_510] : memref<4x4x8x129xf32, #tpu.memory_space<vmem>> -> memref<1x4x8x128xf32, #tpu.memory_space<vmem>>
      %dma_start3A_512 = tpu.memref_squeeze %dma_start3A_511 : memref<1x4x8x128xf32, #tpu.memory_space<vmem>> -> memref<4x8x128xf32, #tpu.memory_space<vmem>>
      %dma_start3A_513 = arith.constant 0 : i32
      %dma_start3A_514 = arith.constant 0 : i32
      %dma_start3A_515 = tpu.memref_slice %arg4[%add3A_426, %dma_start3A_507, %mul3A_4, %dma_start3A_513, %dma_start3A_514] : memref<50x4x128x8x128xf32, #tpu.memory_space<hbm>> -> memref<1x1x4x8x128xf32, #tpu.memory_space<hbm>>
      %dma_start3A_516 = tpu.memref_squeeze %dma_start3A_515 : memref<1x1x4x8x128xf32, #tpu.memory_space<hbm>> -> memref<4x8x128xf32, #tpu.memory_space<hbm>>
      %dma_start3A_517 = arith.constant 0 : i32
      %dma_start3A_518 = arith.constant 0 : i32
      %dma_start3A_519 = tpu.memref_slice %arg4[%add3A_426, %dma_start3A_507, %mul3A_4, %dma_start3A_517, %dma_start3A_518] : memref<50x4x128x8x128xf32, #tpu.memory_space<hbm>> -> memref<1x1x4x8x128xf32, #tpu.memory_space<hbm>>
      %dma_start3A_520 = tpu.memref_squeeze %dma_start3A_519 : memref<1x1x4x8x128xf32, #tpu.memory_space<hbm>> -> memref<4x8x128xf32, #tpu.memory_space<hbm>>
      %dma_start3A_521 = arith.constant 0 : i32
      %dma_start3A_522 = arith.constant 0 : i32
      %dma_start3A_523 = arith.constant 0 : i32
      %dma_start3A_524 = tpu.memref_slice %arg9[%dma_start3A_506, %dma_start3A_521, %dma_start3A_522, %dma_start3A_523] : memref<4x4x8x129xf32, #tpu.memory_space<vmem>> -> memref<1x4x8x128xf32, #tpu.memory_space<vmem>>
      %dma_start3A_525 = tpu.memref_squeeze %dma_start3A_524 : memref<1x4x8x128xf32, #tpu.memory_space<vmem>> -> memref<4x8x128xf32, #tpu.memory_space<vmem>>
      tpu.enqueue_dma source(%dma_start3A_525 : memref<4x8x128xf32, #tpu.memory_space<vmem>>) target(%dma_start3A_520 : memref<4x8x128xf32, #tpu.memory_space<hbm>>) target_semaphore(%arg13 : memref<!tpu.dma_semaphore, #tpu.memory_space<semaphore_mem>>)
      %dma_start3A_526 = arith.constant 2 : i32
      %dma_start3A_527 = arith.constant 2 : i32
      %dma_start3A_528 = arith.constant 0 : i32
      %dma_start3A_529 = arith.constant 0 : i32
      %dma_start3A_530 = arith.constant 0 : i32
      %dma_start3A_531 = tpu.memref_slice %arg9[%dma_start3A_526, %dma_start3A_528, %dma_start3A_529, %dma_start3A_530] : memref<4x4x8x129xf32, #tpu.memory_space<vmem>> -> memref<1x4x8x128xf32, #tpu.memory_space<vmem>>
      %dma_start3A_532 = tpu.memref_squeeze %dma_start3A_531 : memref<1x4x8x128xf32, #tpu.memory_space<vmem>> -> memref<4x8x128xf32, #tpu.memory_space<vmem>>
      %dma_start3A_533 = arith.constant 0 : i32
      %dma_start3A_534 = arith.constant 0 : i32
      %dma_start3A_535 = tpu.memref_slice %arg4[%add3A_426, %dma_start3A_527, %mul3A_4, %dma_start3A_533, %dma_start3A_534] : memref<50x4x128x8x128xf32, #tpu.memory_space<hbm>> -> memref<1x1x4x8x128xf32, #tpu.memory_space<hbm>>
      %dma_start3A_536 = tpu.memref_squeeze %dma_start3A_535 : memref<1x1x4x8x128xf32, #tpu.memory_space<hbm>> -> memref<4x8x128xf32, #tpu.memory_space<hbm>>
      %dma_start3A_537 = arith.constant 0 : i32
      %dma_start3A_538 = arith.constant 0 : i32
      %dma_start3A_539 = tpu.memref_slice %arg4[%add3A_426, %dma_start3A_527, %mul3A_4, %dma_start3A_537, %dma_start3A_538] : memref<50x4x128x8x128xf32, #tpu.memory_space<hbm>> -> memref<1x1x4x8x128xf32, #tpu.memory_space<hbm>>
      %dma_start3A_540 = tpu.memref_squeeze %dma_start3A_539 : memref<1x1x4x8x128xf32, #tpu.memory_space<hbm>> -> memref<4x8x128xf32, #tpu.memory_space<hbm>>
      %dma_start3A_541 = arith.constant 0 : i32
      %dma_start3A_542 = arith.constant 0 : i32
      %dma_start3A_543 = arith.constant 0 : i32
      %dma_start3A_544 = tpu.memref_slice %arg9[%dma_start3A_526, %dma_start3A_541, %dma_start3A_542, %dma_start3A_543] : memref<4x4x8x129xf32, #tpu.memory_space<vmem>> -> memref<1x4x8x128xf32, #tpu.memory_space<vmem>>
      %dma_start3A_545 = tpu.memref_squeeze %dma_start3A_544 : memref<1x4x8x128xf32, #tpu.memory_space<vmem>> -> memref<4x8x128xf32, #tpu.memory_space<vmem>>
      tpu.enqueue_dma source(%dma_start3A_545 : memref<4x8x128xf32, #tpu.memory_space<vmem>>) target(%dma_start3A_540 : memref<4x8x128xf32, #tpu.memory_space<hbm>>) target_semaphore(%arg13 : memref<!tpu.dma_semaphore, #tpu.memory_space<semaphore_mem>>)
      %dma_start3A_546 = arith.constant 3 : i32
      %dma_start3A_547 = arith.constant 3 : i32
      %dma_start3A_548 = arith.constant 0 : i32
      %dma_start3A_549 = arith.constant 0 : i32
      %dma_start3A_550 = arith.constant 0 : i32
      %dma_start3A_551 = tpu.memref_slice %arg9[%dma_start3A_546, %dma_start3A_548, %dma_start3A_549, %dma_start3A_550] : memref<4x4x8x129xf32, #tpu.memory_space<vmem>> -> memref<1x4x8x128xf32, #tpu.memory_space<vmem>>
      %dma_start3A_552 = tpu.memref_squeeze %dma_start3A_551 : memref<1x4x8x128xf32, #tpu.memory_space<vmem>> -> memref<4x8x128xf32, #tpu.memory_space<vmem>>
      %dma_start3A_553 = arith.constant 0 : i32
      %dma_start3A_554 = arith.constant 0 : i32
      %dma_start3A_555 = tpu.memref_slice %arg4[%add3A_426, %dma_start3A_547, %mul3A_4, %dma_start3A_553, %dma_start3A_554] : memref<50x4x128x8x128xf32, #tpu.memory_space<hbm>> -> memref<1x1x4x8x128xf32, #tpu.memory_space<hbm>>
      %dma_start3A_556 = tpu.memref_squeeze %dma_start3A_555 : memref<1x1x4x8x128xf32, #tpu.memory_space<hbm>> -> memref<4x8x128xf32, #tpu.memory_space<hbm>>
      %dma_start3A_557 = arith.constant 0 : i32
      %dma_start3A_558 = arith.constant 0 : i32
      %dma_start3A_559 = tpu.memref_slice %arg4[%add3A_426, %dma_start3A_547, %mul3A_4, %dma_start3A_557, %dma_start3A_558] : memref<50x4x128x8x128xf32, #tpu.memory_space<hbm>> -> memref<1x1x4x8x128xf32, #tpu.memory_space<hbm>>
      %dma_start3A_560 = tpu.memref_squeeze %dma_start3A_559 : memref<1x1x4x8x128xf32, #tpu.memory_space<hbm>> -> memref<4x8x128xf32, #tpu.memory_space<hbm>>
      %dma_start3A_561 = arith.constant 0 : i32
      %dma_start3A_562 = arith.constant 0 : i32
      %dma_start3A_563 = arith.constant 0 : i32
      %dma_start3A_564 = tpu.memref_slice %arg9[%dma_start3A_546, %dma_start3A_561, %dma_start3A_562, %dma_start3A_563] : memref<4x4x8x129xf32, #tpu.memory_space<vmem>> -> memref<1x4x8x128xf32, #tpu.memory_space<vmem>>
      %dma_start3A_565 = tpu.memref_squeeze %dma_start3A_564 : memref<1x4x8x128xf32, #tpu.memory_space<vmem>> -> memref<4x8x128xf32, #tpu.memory_space<vmem>>
      tpu.enqueue_dma source(%dma_start3A_565 : memref<4x8x128xf32, #tpu.memory_space<vmem>>) target(%dma_start3A_560 : memref<4x8x128xf32, #tpu.memory_space<hbm>>) target_semaphore(%arg13 : memref<!tpu.dma_semaphore, #tpu.memory_space<semaphore_mem>>)
    }
    %scan3A_72 = arith.constant 25 : i32
    %dma_wait3A = arith.constant 0 : i32
    %dma_wait3A_73 = arith.constant 48 : i32
    %dma_wait3A_74 = arith.constant 0 : i32
    %dma_wait3A_75 = arith.constant 0 : i32
    %dma_wait3A_76 = arith.constant 0 : i32
    %dma_wait3A_77 = arith.constant 0 : i32
    %dma_wait3A_78 = tpu.memref_slice %arg8[%dma_wait3A, %dma_wait3A_75, %dma_wait3A_76, %dma_wait3A_77] : memref<4x4x8x129xf32, #tpu.memory_space<vmem>> -> memref<1x4x8x128xf32, #tpu.memory_space<vmem>>
    %dma_wait3A_79 = tpu.memref_squeeze %dma_wait3A_78 : memref<1x4x8x128xf32, #tpu.memory_space<vmem>> -> memref<4x8x128xf32, #tpu.memory_space<vmem>>
    %dma_wait3A_80 = arith.constant 0 : i32
    %dma_wait3A_81 = arith.constant 0 : i32
    %dma_wait3A_82 = tpu.memref_slice %arg4[%dma_wait3A_73, %dma_wait3A_74, %mul3A_4, %dma_wait3A_80, %dma_wait3A_81] : memref<50x4x128x8x128xf32, #tpu.memory_space<hbm>> -> memref<1x1x4x8x128xf32, #tpu.memory_space<hbm>>
    %dma_wait3A_83 = tpu.memref_squeeze %dma_wait3A_82 : memref<1x1x4x8x128xf32, #tpu.memory_space<hbm>> -> memref<4x8x128xf32, #tpu.memory_space<hbm>>
    %dma_wait3A_84 = arith.constant 0 : i32
    %dma_wait3A_85 = arith.constant 0 : i32
    %dma_wait3A_86 = tpu.memref_slice %arg4[%dma_wait3A_73, %dma_wait3A_74, %mul3A_4, %dma_wait3A_84, %dma_wait3A_85] : memref<50x4x128x8x128xf32, #tpu.memory_space<hbm>> -> memref<1x1x4x8x128xf32, #tpu.memory_space<hbm>>
    %dma_wait3A_87 = tpu.memref_squeeze %dma_wait3A_86 : memref<1x1x4x8x128xf32, #tpu.memory_space<hbm>> -> memref<4x8x128xf32, #tpu.memory_space<hbm>>
    %dma_wait3A_88 = arith.constant 0 : i32
    %dma_wait3A_89 = arith.constant 0 : i32
    %dma_wait3A_90 = arith.constant 0 : i32
    %dma_wait3A_91 = tpu.memref_slice %arg8[%dma_wait3A, %dma_wait3A_88, %dma_wait3A_89, %dma_wait3A_90] : memref<4x4x8x129xf32, #tpu.memory_space<vmem>> -> memref<1x4x8x128xf32, #tpu.memory_space<vmem>>
    %dma_wait3A_92 = tpu.memref_squeeze %dma_wait3A_91 : memref<1x4x8x128xf32, #tpu.memory_space<vmem>> -> memref<4x8x128xf32, #tpu.memory_space<vmem>>
    tpu.wait_dma2 semaphore(%arg12 : memref<!tpu.dma_semaphore, #tpu.memory_space<semaphore_mem>>) src(%dma_wait3A_92 : memref<4x8x128xf32, #tpu.memory_space<vmem>>) dst(%dma_wait3A_87 : memref<4x8x128xf32, #tpu.memory_space<hbm>>)
    %dma_wait3A_93 = arith.constant 1 : i32
    %dma_wait3A_94 = arith.constant 48 : i32
    %dma_wait3A_95 = arith.constant 1 : i32
    %dma_wait3A_96 = arith.constant 0 : i32
    %dma_wait3A_97 = arith.constant 0 : i32
    %dma_wait3A_98 = arith.constant 0 : i32
    %dma_wait3A_99 = tpu.memref_slice %arg8[%dma_wait3A_93, %dma_wait3A_96, %dma_wait3A_97, %dma_wait3A_98] : memref<4x4x8x129xf32, #tpu.memory_space<vmem>> -> memref<1x4x8x128xf32, #tpu.memory_space<vmem>>
    %dma_wait3A_100 = tpu.memref_squeeze %dma_wait3A_99 : memref<1x4x8x128xf32, #tpu.memory_space<vmem>> -> memref<4x8x128xf32, #tpu.memory_space<vmem>>
    %dma_wait3A_101 = arith.constant 0 : i32
    %dma_wait3A_102 = arith.constant 0 : i32
    %dma_wait3A_103 = tpu.memref_slice %arg4[%dma_wait3A_94, %dma_wait3A_95, %mul3A_4, %dma_wait3A_101, %dma_wait3A_102] : memref<50x4x128x8x128xf32, #tpu.memory_space<hbm>> -> memref<1x1x4x8x128xf32, #tpu.memory_space<hbm>>
    %dma_wait3A_104 = tpu.memref_squeeze %dma_wait3A_103 : memref<1x1x4x8x128xf32, #tpu.memory_space<hbm>> -> memref<4x8x128xf32, #tpu.memory_space<hbm>>
    %dma_wait3A_105 = arith.constant 0 : i32
    %dma_wait3A_106 = arith.constant 0 : i32
    %dma_wait3A_107 = tpu.memref_slice %arg4[%dma_wait3A_94, %dma_wait3A_95, %mul3A_4, %dma_wait3A_105, %dma_wait3A_106] : memref<50x4x128x8x128xf32, #tpu.memory_space<hbm>> -> memref<1x1x4x8x128xf32, #tpu.memory_space<hbm>>
    %dma_wait3A_108 = tpu.memref_squeeze %dma_wait3A_107 : memref<1x1x4x8x128xf32, #tpu.memory_space<hbm>> -> memref<4x8x128xf32, #tpu.memory_space<hbm>>
    %dma_wait3A_109 = arith.constant 0 : i32
    %dma_wait3A_110 = arith.constant 0 : i32
    %dma_wait3A_111 = arith.constant 0 : i32
    %dma_wait3A_112 = tpu.memref_slice %arg8[%dma_wait3A_93, %dma_wait3A_109, %dma_wait3A_110, %dma_wait3A_111] : memref<4x4x8x129xf32, #tpu.memory_space<vmem>> -> memref<1x4x8x128xf32, #tpu.memory_space<vmem>>
    %dma_wait3A_113 = tpu.memref_squeeze %dma_wait3A_112 : memref<1x4x8x128xf32, #tpu.memory_space<vmem>> -> memref<4x8x128xf32, #tpu.memory_space<vmem>>
    tpu.wait_dma2 semaphore(%arg12 : memref<!tpu.dma_semaphore, #tpu.memory_space<semaphore_mem>>) src(%dma_wait3A_113 : memref<4x8x128xf32, #tpu.memory_space<vmem>>) dst(%dma_wait3A_108 : memref<4x8x128xf32, #tpu.memory_space<hbm>>)
    %dma_wait3A_114 = arith.constant 2 : i32
    %dma_wait3A_115 = arith.constant 48 : i32
    %dma_wait3A_116 = arith.constant 2 : i32
    %dma_wait3A_117 = arith.constant 0 : i32
    %dma_wait3A_118 = arith.constant 0 : i32
    %dma_wait3A_119 = arith.constant 0 : i32
    %dma_wait3A_120 = tpu.memref_slice %arg8[%dma_wait3A_114, %dma_wait3A_117, %dma_wait3A_118, %dma_wait3A_119] : memref<4x4x8x129xf32, #tpu.memory_space<vmem>> -> memref<1x4x8x128xf32, #tpu.memory_space<vmem>>
    %dma_wait3A_121 = tpu.memref_squeeze %dma_wait3A_120 : memref<1x4x8x128xf32, #tpu.memory_space<vmem>> -> memref<4x8x128xf32, #tpu.memory_space<vmem>>
    %dma_wait3A_122 = arith.constant 0 : i32
    %dma_wait3A_123 = arith.constant 0 : i32
    %dma_wait3A_124 = tpu.memref_slice %arg4[%dma_wait3A_115, %dma_wait3A_116, %mul3A_4, %dma_wait3A_122, %dma_wait3A_123] : memref<50x4x128x8x128xf32, #tpu.memory_space<hbm>> -> memref<1x1x4x8x128xf32, #tpu.memory_space<hbm>>
    %dma_wait3A_125 = tpu.memref_squeeze %dma_wait3A_124 : memref<1x1x4x8x128xf32, #tpu.memory_space<hbm>> -> memref<4x8x128xf32, #tpu.memory_space<hbm>>
    %dma_wait3A_126 = arith.constant 0 : i32
    %dma_wait3A_127 = arith.constant 0 : i32
    %dma_wait3A_128 = tpu.memref_slice %arg4[%dma_wait3A_115, %dma_wait3A_116, %mul3A_4, %dma_wait3A_126, %dma_wait3A_127] : memref<50x4x128x8x128xf32, #tpu.memory_space<hbm>> -> memref<1x1x4x8x128xf32, #tpu.memory_space<hbm>>
    %dma_wait3A_129 = tpu.memref_squeeze %dma_wait3A_128 : memref<1x1x4x8x128xf32, #tpu.memory_space<hbm>> -> memref<4x8x128xf32, #tpu.memory_space<hbm>>
    %dma_wait3A_130 = arith.constant 0 : i32
    %dma_wait3A_131 = arith.constant 0 : i32
    %dma_wait3A_132 = arith.constant 0 : i32
    %dma_wait3A_133 = tpu.memref_slice %arg8[%dma_wait3A_114, %dma_wait3A_130, %dma_wait3A_131, %dma_wait3A_132] : memref<4x4x8x129xf32, #tpu.memory_space<vmem>> -> memref<1x4x8x128xf32, #tpu.memory_space<vmem>>
    %dma_wait3A_134 = tpu.memref_squeeze %dma_wait3A_133 : memref<1x4x8x128xf32, #tpu.memory_space<vmem>> -> memref<4x8x128xf32, #tpu.memory_space<vmem>>
    tpu.wait_dma2 semaphore(%arg12 : memref<!tpu.dma_semaphore, #tpu.memory_space<semaphore_mem>>) src(%dma_wait3A_134 : memref<4x8x128xf32, #tpu.memory_space<vmem>>) dst(%dma_wait3A_129 : memref<4x8x128xf32, #tpu.memory_space<hbm>>)
    %dma_wait3A_135 = arith.constant 3 : i32
    %dma_wait3A_136 = arith.constant 48 : i32
    %dma_wait3A_137 = arith.constant 3 : i32
    %dma_wait3A_138 = arith.constant 0 : i32
    %dma_wait3A_139 = arith.constant 0 : i32
    %dma_wait3A_140 = arith.constant 0 : i32
    %dma_wait3A_141 = tpu.memref_slice %arg8[%dma_wait3A_135, %dma_wait3A_138, %dma_wait3A_139, %dma_wait3A_140] : memref<4x4x8x129xf32, #tpu.memory_space<vmem>> -> memref<1x4x8x128xf32, #tpu.memory_space<vmem>>
    %dma_wait3A_142 = tpu.memref_squeeze %dma_wait3A_141 : memref<1x4x8x128xf32, #tpu.memory_space<vmem>> -> memref<4x8x128xf32, #tpu.memory_space<vmem>>
    %dma_wait3A_143 = arith.constant 0 : i32
    %dma_wait3A_144 = arith.constant 0 : i32
    %dma_wait3A_145 = tpu.memref_slice %arg4[%dma_wait3A_136, %dma_wait3A_137, %mul3A_4, %dma_wait3A_143, %dma_wait3A_144] : memref<50x4x128x8x128xf32, #tpu.memory_space<hbm>> -> memref<1x1x4x8x128xf32, #tpu.memory_space<hbm>>
    %dma_wait3A_146 = tpu.memref_squeeze %dma_wait3A_145 : memref<1x1x4x8x128xf32, #tpu.memory_space<hbm>> -> memref<4x8x128xf32, #tpu.memory_space<hbm>>
    %dma_wait3A_147 = arith.constant 0 : i32
    %dma_wait3A_148 = arith.constant 0 : i32
    %dma_wait3A_149 = tpu.memref_slice %arg4[%dma_wait3A_136, %dma_wait3A_137, %mul3A_4, %dma_wait3A_147, %dma_wait3A_148] : memref<50x4x128x8x128xf32, #tpu.memory_space<hbm>> -> memref<1x1x4x8x128xf32, #tpu.memory_space<hbm>>
    %dma_wait3A_150 = tpu.memref_squeeze %dma_wait3A_149 : memref<1x1x4x8x128xf32, #tpu.memory_space<hbm>> -> memref<4x8x128xf32, #tpu.memory_space<hbm>>
    %dma_wait3A_151 = arith.constant 0 : i32
    %dma_wait3A_152 = arith.constant 0 : i32
    %dma_wait3A_153 = arith.constant 0 : i32
    %dma_wait3A_154 = tpu.memref_slice %arg8[%dma_wait3A_135, %dma_wait3A_151, %dma_wait3A_152, %dma_wait3A_153] : memref<4x4x8x129xf32, #tpu.memory_space<vmem>> -> memref<1x4x8x128xf32, #tpu.memory_space<vmem>>
    %dma_wait3A_155 = tpu.memref_squeeze %dma_wait3A_154 : memref<1x4x8x128xf32, #tpu.memory_space<vmem>> -> memref<4x8x128xf32, #tpu.memory_space<vmem>>
    tpu.wait_dma2 semaphore(%arg12 : memref<!tpu.dma_semaphore, #tpu.memory_space<semaphore_mem>>) src(%dma_wait3A_155 : memref<4x8x128xf32, #tpu.memory_space<vmem>>) dst(%dma_wait3A_150 : memref<4x8x128xf32, #tpu.memory_space<hbm>>)
    %dma_wait3A_156 = arith.constant 0 : i32
    %dma_wait3A_157 = arith.constant 49 : i32
    %dma_wait3A_158 = arith.constant 0 : i32
    %dma_wait3A_159 = arith.constant 0 : i32
    %dma_wait3A_160 = arith.constant 0 : i32
    %dma_wait3A_161 = arith.constant 0 : i32
    %dma_wait3A_162 = tpu.memref_slice %arg9[%dma_wait3A_156, %dma_wait3A_159, %dma_wait3A_160, %dma_wait3A_161] : memref<4x4x8x129xf32, #tpu.memory_space<vmem>> -> memref<1x4x8x128xf32, #tpu.memory_space<vmem>>
    %dma_wait3A_163 = tpu.memref_squeeze %dma_wait3A_162 : memref<1x4x8x128xf32, #tpu.memory_space<vmem>> -> memref<4x8x128xf32, #tpu.memory_space<vmem>>
    %dma_wait3A_164 = arith.constant 0 : i32
    %dma_wait3A_165 = arith.constant 0 : i32
    %dma_wait3A_166 = tpu.memref_slice %arg4[%dma_wait3A_157, %dma_wait3A_158, %mul3A_4, %dma_wait3A_164, %dma_wait3A_165] : memref<50x4x128x8x128xf32, #tpu.memory_space<hbm>> -> memref<1x1x4x8x128xf32, #tpu.memory_space<hbm>>
    %dma_wait3A_167 = tpu.memref_squeeze %dma_wait3A_166 : memref<1x1x4x8x128xf32, #tpu.memory_space<hbm>> -> memref<4x8x128xf32, #tpu.memory_space<hbm>>
    %dma_wait3A_168 = arith.constant 0 : i32
    %dma_wait3A_169 = arith.constant 0 : i32
    %dma_wait3A_170 = tpu.memref_slice %arg4[%dma_wait3A_157, %dma_wait3A_158, %mul3A_4, %dma_wait3A_168, %dma_wait3A_169] : memref<50x4x128x8x128xf32, #tpu.memory_space<hbm>> -> memref<1x1x4x8x128xf32, #tpu.memory_space<hbm>>
    %dma_wait3A_171 = tpu.memref_squeeze %dma_wait3A_170 : memref<1x1x4x8x128xf32, #tpu.memory_space<hbm>> -> memref<4x8x128xf32, #tpu.memory_space<hbm>>
    %dma_wait3A_172 = arith.constant 0 : i32
    %dma_wait3A_173 = arith.constant 0 : i32
    %dma_wait3A_174 = arith.constant 0 : i32
    %dma_wait3A_175 = tpu.memref_slice %arg9[%dma_wait3A_156, %dma_wait3A_172, %dma_wait3A_173, %dma_wait3A_174] : memref<4x4x8x129xf32, #tpu.memory_space<vmem>> -> memref<1x4x8x128xf32, #tpu.memory_space<vmem>>
    %dma_wait3A_176 = tpu.memref_squeeze %dma_wait3A_175 : memref<1x4x8x128xf32, #tpu.memory_space<vmem>> -> memref<4x8x128xf32, #tpu.memory_space<vmem>>
    tpu.wait_dma2 semaphore(%arg13 : memref<!tpu.dma_semaphore, #tpu.memory_space<semaphore_mem>>) src(%dma_wait3A_176 : memref<4x8x128xf32, #tpu.memory_space<vmem>>) dst(%dma_wait3A_171 : memref<4x8x128xf32, #tpu.memory_space<hbm>>)
    %dma_wait3A_177 = arith.constant 1 : i32
    %dma_wait3A_178 = arith.constant 49 : i32
    %dma_wait3A_179 = arith.constant 1 : i32
    %dma_wait3A_180 = arith.constant 0 : i32
    %dma_wait3A_181 = arith.constant 0 : i32
    %dma_wait3A_182 = arith.constant 0 : i32
    %dma_wait3A_183 = tpu.memref_slice %arg9[%dma_wait3A_177, %dma_wait3A_180, %dma_wait3A_181, %dma_wait3A_182] : memref<4x4x8x129xf32, #tpu.memory_space<vmem>> -> memref<1x4x8x128xf32, #tpu.memory_space<vmem>>
    %dma_wait3A_184 = tpu.memref_squeeze %dma_wait3A_183 : memref<1x4x8x128xf32, #tpu.memory_space<vmem>> -> memref<4x8x128xf32, #tpu.memory_space<vmem>>
    %dma_wait3A_185 = arith.constant 0 : i32
    %dma_wait3A_186 = arith.constant 0 : i32
    %dma_wait3A_187 = tpu.memref_slice %arg4[%dma_wait3A_178, %dma_wait3A_179, %mul3A_4, %dma_wait3A_185, %dma_wait3A_186] : memref<50x4x128x8x128xf32, #tpu.memory_space<hbm>> -> memref<1x1x4x8x128xf32, #tpu.memory_space<hbm>>
    %dma_wait3A_188 = tpu.memref_squeeze %dma_wait3A_187 : memref<1x1x4x8x128xf32, #tpu.memory_space<hbm>> -> memref<4x8x128xf32, #tpu.memory_space<hbm>>
    %dma_wait3A_189 = arith.constant 0 : i32
    %dma_wait3A_190 = arith.constant 0 : i32
    %dma_wait3A_191 = tpu.memref_slice %arg4[%dma_wait3A_178, %dma_wait3A_179, %mul3A_4, %dma_wait3A_189, %dma_wait3A_190] : memref<50x4x128x8x128xf32, #tpu.memory_space<hbm>> -> memref<1x1x4x8x128xf32, #tpu.memory_space<hbm>>
    %dma_wait3A_192 = tpu.memref_squeeze %dma_wait3A_191 : memref<1x1x4x8x128xf32, #tpu.memory_space<hbm>> -> memref<4x8x128xf32, #tpu.memory_space<hbm>>
    %dma_wait3A_193 = arith.constant 0 : i32
    %dma_wait3A_194 = arith.constant 0 : i32
    %dma_wait3A_195 = arith.constant 0 : i32
    %dma_wait3A_196 = tpu.memref_slice %arg9[%dma_wait3A_177, %dma_wait3A_193, %dma_wait3A_194, %dma_wait3A_195] : memref<4x4x8x129xf32, #tpu.memory_space<vmem>> -> memref<1x4x8x128xf32, #tpu.memory_space<vmem>>
    %dma_wait3A_197 = tpu.memref_squeeze %dma_wait3A_196 : memref<1x4x8x128xf32, #tpu.memory_space<vmem>> -> memref<4x8x128xf32, #tpu.memory_space<vmem>>
    tpu.wait_dma2 semaphore(%arg13 : memref<!tpu.dma_semaphore, #tpu.memory_space<semaphore_mem>>) src(%dma_wait3A_197 : memref<4x8x128xf32, #tpu.memory_space<vmem>>) dst(%dma_wait3A_192 : memref<4x8x128xf32, #tpu.memory_space<hbm>>)
    %dma_wait3A_198 = arith.constant 2 : i32
    %dma_wait3A_199 = arith.constant 49 : i32
    %dma_wait3A_200 = arith.constant 2 : i32
    %dma_wait3A_201 = arith.constant 0 : i32
    %dma_wait3A_202 = arith.constant 0 : i32
    %dma_wait3A_203 = arith.constant 0 : i32
    %dma_wait3A_204 = tpu.memref_slice %arg9[%dma_wait3A_198, %dma_wait3A_201, %dma_wait3A_202, %dma_wait3A_203] : memref<4x4x8x129xf32, #tpu.memory_space<vmem>> -> memref<1x4x8x128xf32, #tpu.memory_space<vmem>>
    %dma_wait3A_205 = tpu.memref_squeeze %dma_wait3A_204 : memref<1x4x8x128xf32, #tpu.memory_space<vmem>> -> memref<4x8x128xf32, #tpu.memory_space<vmem>>
    %dma_wait3A_206 = arith.constant 0 : i32
    %dma_wait3A_207 = arith.constant 0 : i32
    %dma_wait3A_208 = tpu.memref_slice %arg4[%dma_wait3A_199, %dma_wait3A_200, %mul3A_4, %dma_wait3A_206, %dma_wait3A_207] : memref<50x4x128x8x128xf32, #tpu.memory_space<hbm>> -> memref<1x1x4x8x128xf32, #tpu.memory_space<hbm>>
    %dma_wait3A_209 = tpu.memref_squeeze %dma_wait3A_208 : memref<1x1x4x8x128xf32, #tpu.memory_space<hbm>> -> memref<4x8x128xf32, #tpu.memory_space<hbm>>
    %dma_wait3A_210 = arith.constant 0 : i32
    %dma_wait3A_211 = arith.constant 0 : i32
    %dma_wait3A_212 = tpu.memref_slice %arg4[%dma_wait3A_199, %dma_wait3A_200, %mul3A_4, %dma_wait3A_210, %dma_wait3A_211] : memref<50x4x128x8x128xf32, #tpu.memory_space<hbm>> -> memref<1x1x4x8x128xf32, #tpu.memory_space<hbm>>
    %dma_wait3A_213 = tpu.memref_squeeze %dma_wait3A_212 : memref<1x1x4x8x128xf32, #tpu.memory_space<hbm>> -> memref<4x8x128xf32, #tpu.memory_space<hbm>>
    %dma_wait3A_214 = arith.constant 0 : i32
    %dma_wait3A_215 = arith.constant 0 : i32
    %dma_wait3A_216 = arith.constant 0 : i32
    %dma_wait3A_217 = tpu.memref_slice %arg9[%dma_wait3A_198, %dma_wait3A_214, %dma_wait3A_215, %dma_wait3A_216] : memref<4x4x8x129xf32, #tpu.memory_space<vmem>> -> memref<1x4x8x128xf32, #tpu.memory_space<vmem>>
    %dma_wait3A_218 = tpu.memref_squeeze %dma_wait3A_217 : memref<1x4x8x128xf32, #tpu.memory_space<vmem>> -> memref<4x8x128xf32, #tpu.memory_space<vmem>>
    tpu.wait_dma2 semaphore(%arg13 : memref<!tpu.dma_semaphore, #tpu.memory_space<semaphore_mem>>) src(%dma_wait3A_218 : memref<4x8x128xf32, #tpu.memory_space<vmem>>) dst(%dma_wait3A_213 : memref<4x8x128xf32, #tpu.memory_space<hbm>>)
    %dma_wait3A_219 = arith.constant 3 : i32
    %dma_wait3A_220 = arith.constant 49 : i32
    %dma_wait3A_221 = arith.constant 3 : i32
    %dma_wait3A_222 = arith.constant 0 : i32
    %dma_wait3A_223 = arith.constant 0 : i32
    %dma_wait3A_224 = arith.constant 0 : i32
    %dma_wait3A_225 = tpu.memref_slice %arg9[%dma_wait3A_219, %dma_wait3A_222, %dma_wait3A_223, %dma_wait3A_224] : memref<4x4x8x129xf32, #tpu.memory_space<vmem>> -> memref<1x4x8x128xf32, #tpu.memory_space<vmem>>
    %dma_wait3A_226 = tpu.memref_squeeze %dma_wait3A_225 : memref<1x4x8x128xf32, #tpu.memory_space<vmem>> -> memref<4x8x128xf32, #tpu.memory_space<vmem>>
    %dma_wait3A_227 = arith.constant 0 : i32
    %dma_wait3A_228 = arith.constant 0 : i32
    %dma_wait3A_229 = tpu.memref_slice %arg4[%dma_wait3A_220, %dma_wait3A_221, %mul3A_4, %dma_wait3A_227, %dma_wait3A_228] : memref<50x4x128x8x128xf32, #tpu.memory_space<hbm>> -> memref<1x1x4x8x128xf32, #tpu.memory_space<hbm>>
    %dma_wait3A_230 = tpu.memref_squeeze %dma_wait3A_229 : memref<1x1x4x8x128xf32, #tpu.memory_space<hbm>> -> memref<4x8x128xf32, #tpu.memory_space<hbm>>
    %dma_wait3A_231 = arith.constant 0 : i32
    %dma_wait3A_232 = arith.constant 0 : i32
    %dma_wait3A_233 = tpu.memref_slice %arg4[%dma_wait3A_220, %dma_wait3A_221, %mul3A_4, %dma_wait3A_231, %dma_wait3A_232] : memref<50x4x128x8x128xf32, #tpu.memory_space<hbm>> -> memref<1x1x4x8x128xf32, #tpu.memory_space<hbm>>
    %dma_wait3A_234 = tpu.memref_squeeze %dma_wait3A_233 : memref<1x1x4x8x128xf32, #tpu.memory_space<hbm>> -> memref<4x8x128xf32, #tpu.memory_space<hbm>>
    %dma_wait3A_235 = arith.constant 0 : i32
    %dma_wait3A_236 = arith.constant 0 : i32
    %dma_wait3A_237 = arith.constant 0 : i32
    %dma_wait3A_238 = tpu.memref_slice %arg9[%dma_wait3A_219, %dma_wait3A_235, %dma_wait3A_236, %dma_wait3A_237] : memref<4x4x8x129xf32, #tpu.memory_space<vmem>> -> memref<1x4x8x128xf32, #tpu.memory_space<vmem>>
    %dma_wait3A_239 = tpu.memref_squeeze %dma_wait3A_238 : memref<1x4x8x128xf32, #tpu.memory_space<vmem>> -> memref<4x8x128xf32, #tpu.memory_space<vmem>>
    tpu.wait_dma2 semaphore(%arg13 : memref<!tpu.dma_semaphore, #tpu.memory_space<semaphore_mem>>) src(%dma_wait3A_239 : memref<4x8x128xf32, #tpu.memory_space<vmem>>) dst(%dma_wait3A_234 : memref<4x8x128xf32, #tpu.memory_space<hbm>>)
    return
  }
}

</mosaic_0001>

<sc_bundles>
// kernel: kernel.3.cloned.1.call-start
scs
__scs_entry_jumppad:
0x0: {  	(pc) =	sbr.rel $0x88, $3  }
0x1: {  	(tag) =	ssettag $0x0;
	lr =	simm.s32 $0x1  }
0x2: {  	[smem:$0x3F9F] =	sst lr;
	_ =	strace $0xD0000000  }
0x3: {  	_ = 	snop  }
0x4: {  	_ = 	snop  }
0x5: {  	_ = 	snop  }
0x6: {  	_ = 	snop  }
0x7: {  	_ = 	snop  }
__scs_overlays_trampoline_lowered:
0x8: {  	[smem:$0x3FAE] =	sst s0  }
0x9: {  	[smem:$0x3FAF] =	sst s1  }
0xa: {  	[smem:$0x3FB0] =	sst s2  }
0xb: {  	[smem:$0x3FB1] =	sst s3  }
0xc: {  	[smem:$0x3FB2] =	sst s4  }
0xd: {  	[smem:$0x3FB3] =	sst s5  }
0xe: {  	[smem:$0x3FB4] =	sst s6  }
0xf: {  	[smem:$0x3FB5] =	sst s7  }
0x10: {  	[smem:$0x3FB6] =	sst s8  }
0x11: {  	[smem:$0x3FB7] =	sst s9;
	s0 =	simm.s32 @!p0 $0x0  }
0x12: {  	s1 =	sld [smem:$0x3F9D];
	s0 =	simm.s32 @p0 $0x1  }
0x13: {  	[smem:$0x3FB8] =	sst s0;
	s0 =	simm.s32 @!p1 $0x0  }
0x14: {  	s2 =	sld [smem:$0x3F9C];
	s0 =	simm.s32 @p1 $0x1  }
0x15: {  	[smem:$0x3FB9] =	sst s0;
	s0 =	simm.s32 @!p2 $0x0  }
0x16: {  	s3 =	sld [smem:$0x3FDB];
	s0 =	simm.s32 @p2 $0x1  }
0x17: {  	s4 =	simm.s32 $0x1BF5;
	[smem:$0x3FBB] =	sst s0  }
0x18: {  	s0 =	sld [smem:$0x3F9E];
	_ =	swait.ge [sflag:s4], $0x0  }
0x19: {  	s7 =	sld [smem:$0x3F9F]  }
0x1a: {  	s8 =	sadd.s32 $0xFFFFE003, lr  }
0x1b: {  	s9 =	sadd.s32 $0xFFFFFEF7, lr;
	s5 =	simm.s32 $0xFFFFFFFF;
	p2 =	slt.u32 s8, $0xFFFFF086  }
0x1c: {  	p1 =	slt.u32 s9, $0xF7A;
	s5 =	simm.s32 @!p2 $0x0  }
0x1d: {  	s5 =	simm.s32 @p1 $0x1;
	p0 =	seq.s32 s7, s2  }
0x1e: {  	s7 =	smul.u32 @!p0 $0xF7A, s2;
	p2 =	seq.s32 @!p0 s5, $0x0  }
0x1f: {  	s9 =	smul.u32 $0xF7A, s1;
	s8 =	simm.s32 @!p0 $0x1BF5;
	p2 =	por !p2, p0  }
0x20: {  	[sflag:s8] =	ssyncset.s32 @!p0 $0xFFFFF086;
	s6 =	sadd.s32 @!p0 s3, s7;
	s7 =	simm.s32 @!p0 $0x108  }
0x21: {  	s3 =	sadd.s32 s3, s9;
	s6 =	sadd.s32 @!p0 $0x88, s6;
	s7 =	simm.s32 @p2 $0x1082  }
0x22: {  	[simem:s7], [sflag:s8] =	dma.local @!p0 [hbm:s6], $0xF7A  }
0x23: {  	s9 =	sor.u32 $0xD0000000, s2;
	s6 =	simm.s32 $0x108;
	_ =	swait.ge @!p0 [sflag:s8], $0x0  }
0x24: {  	s3 =	sadd.s32 $0x88, s3;
	s6 =	simm.s32 @!p1 $0x1082;
	[sflag:s4] =	ssyncset.s32 $0xFFFFF086  }
0x25: {  	[simem:s6], [sflag:s4] =	dma.local [hbm:s3], $0xF7A  }
0x26: {  	[smem:$0x3F9F] =	sst s1;
	(tag) =	ssettag s2;
	_ =	strace s9  }
0x27: {  	s1 =	sld [smem:$0x3FAF]  }
0x28: {  	s2 =	sld [smem:$0x3FB0]  }
0x29: {  	s4 =	sld [smem:$0x3FB2]  }
0x2a: {  	p0 =	seq.s32 s5, $0x0;
	s5 =	sld [smem:$0x3FB3]  }
0x2b: {  	s6 =	sld [smem:$0x3FB4]  }
0x2c: {  	s7 =	sld [smem:$0x3FB5]  }
0x2d: {  	s3 =	simm.s32 $0x108;
	s8 =	sld [smem:$0x3FB6]  }
0x2e: {  	s3 =	simm.s32 @!p0 $0x1082;
	s9 =	sld [smem:$0x3FB7]  }
0x2f: {  	lr =	sadd.s32 s0, s3;
	s0 =	sld [smem:$0x3FAE]  }
0x30: {  	s3 =	sld [smem:$0x3FB1]  }
0x31: {  	[smem:$0x3FBA] =	sst s10  }
0x32: {  	s10 =	sld [smem:$0x3FB8];
	_ =	sdelay $0x3  }
0x33: {  	p0 =	seq.s32 s10, $0x1;
	s10 =	sld [smem:$0x3FBA];
	_ =	sdelay $0x3  }
0x34: {  	[smem:$0x3FBA] =	sst s10  }
0x35: {  	s10 =	sld [smem:$0x3FB9];
	_ =	sdelay $0x3  }
0x36: {  	p1 =	seq.s32 s10, $0x1;
	s10 =	sld [smem:$0x3FBA];
	_ =	sdelay $0x3  }
0x37: {  	[smem:$0x3FBA] =	sst s10  }
0x38: {  	s10 =	sld [smem:$0x3FBB]  }
0x39: {  	_ = 	snop;
	(pc) =	sbr.ind lr, $3  }
0x3a: {  	_ = 	snop  }
0x3b: {  	_ = 	snop  }
0x3c: {  	p2 =	seq.s32 s10, $0x1;
	s10 =	sld [smem:$0x3FBA]  }
0x3d: {  	_ =	shalt  }
0x3e: {  	_ =	shalt  }
0x3f: {  	_ =	shalt  }
0x40: {  	_ =	shalt  }
0x41: {  	_ =	shalt  }
0x42: {  	_ =	shalt  }
0x43: {  	_ =	shalt  }
0x44: {  	_ =	shalt  }
0x45: {  	_ =	shalt  }
0x46: {  	_ =	shalt  }
0x47: {  	_ =	shalt  }
0x48: {  	_ =	shalt  }
0x49: {  	_ =	shalt  }
0x4a: {  	_ =	shalt  }
0x4b: {  	_ =	shalt  }
0x4c: {  	_ =	shalt  }
0x4d: {  	_ =	shalt  }
0x4e: {  	_ =	shalt  }
0x4f: {  	_ =	shalt  }
0x50: {  	_ =	shalt  }
0x51: {  	_ =	shalt  }
0x52: {  	_ =	shalt  }
0x53: {  	_ =	shalt  }
0x54: {  	_ =	shalt  }
0x55: {  	_ =	shalt  }
0x56: {  	_ =	shalt  }
0x57: {  	_ =	shalt  }
0x58: {  	_ =	shalt  }
0x59: {  	_ =	shalt  }
0x5a: {  	_ =	shalt  }
0x5b: {  	_ =	shalt  }
0x5c: {  	_ =	shalt  }
0x5d: {  	_ =	shalt  }
0x5e: {  	_ =	shalt  }
0x5f: {  	_ =	shalt  }
0x60: {  	_ =	shalt  }
0x61: {  	_ =	shalt  }
0x62: {  	_ =	shalt  }
0x63: {  	_ =	shalt  }
0x64: {  	_ =	shalt  }
0x65: {  	_ =	shalt  }
0x66: {  	_ =	shalt  }
0x67: {  	_ =	shalt  }
0x68: {  	_ =	shalt  }
0x69: {  	_ =	shalt  }
0x6a: {  	_ =	shalt  }
0x6b: {  	_ =	shalt  }
0x6c: {  	_ =	shalt  }
0x6d: {  	_ =	shalt  }
0x6e: {  	_ =	shalt  }
0x6f: {  	_ =	shalt  }
0x70: {  	_ =	shalt  }
0x71: {  	_ =	shalt  }
0x72: {  	_ =	shalt  }
0x73: {  	_ =	shalt  }
0x74: {  	_ =	shalt  }
0x75: {  	_ =	shalt  }
0x76: {  	_ =	shalt  }
0x77: {  	_ =	shalt  }
0x78: {  	_ =	shalt  }
0x79: {  	_ =	shalt  }
0x7a: {  	_ =	shalt  }
0x7b: {  	_ =	shalt  }
0x7c: {  	_ =	shalt  }
0x7d: {  	_ =	shalt  }
0x7e: {  	_ =	shalt  }
0x7f: {  	_ =	shalt  }
0x80: {  	_ =	shalt  }
0x81: {  	_ =	shalt  }
0x82: {  	_ =	shalt  }
0x83: {  	_ =	shalt  }
0x84: {  	_ =	shalt  }
0x85: {  	_ =	shalt  }
0x86: {  	_ =	shalt  }
0x87: {  	_ =	shalt  }
.Lfunc_end0:
.L_simem_size_0:
called_computation_lowered:
.L_overlay_start_0:
0x88: {  	s2 =	sld [smem:$0x3FD9]  }
0x89: {  	s3 =	sld [smem:$0x3FFE];
	_ =	sdelay $0x1  }
0x8a: {  	s1 =	srdreg.scid  }
0x8b: {  	s0 =	sand.u32 $0x1, s1  }
0x8c: {  	s17 =	sshll.u32 s0, $0xA;
	s2 =	sadd.s32 s3, s2  }
0x8d: {  	s2 =	sadd.s32 s2, s17  }
0x8e: {  	[smem:$0x3FC6] =	sst s2  }
0x8f: {  	_ = 	snop  }
0x90: {  	s2 =	sld [smem:$0x3FD0];
	(tm) =	ssettm $0x1  }
0x91: {  	s18 =	sld [smem:$0x3FFB];
	_ =	sdelay $0x3  }
0x92: {  	_ =	strace s18  }
0x93: {  	s3 =	sld [smem:$0x3FFC];
	_ =	sdelay $0x3  }
0x94: {  	_ =	strace s3  }
0x95: {  	s3 =	sld [smem:$0x3FFD];
	_ =	sdelay $0x3  }
0x96: {  	_ =	strace s3  }
0x97: {  	_ =	strace $0x8FFFFFFF  }
0x98: {  	s19 =	sld [smem:$0x3FDB];
	_ =	sdelay $0x1  }
0x99: {  	s4 =	simm.s32 $_scs_section_size  }
0x9a: {  	s5 =	simm.s32 $_size__tile_overlayer_lowered;
	s6 =	simm.s32 $_tile_overlayer_lowered  }
0x9b: {  	s22 =	simm.s32 $0x1BFF;
	s21 =	sshll.u32 s6, $0x1;
	s3 =	sadd.s32 s4, s19  }
0x9c: {  	s7 =	simm.s32 $0x0;
	s20 =	sshll.u32 s5, $0x1;
	s5 =	sadd.s32 s21, s3  }
0x9d: {  	[timem:s7], [sflag:s22] =	dma.local [hbm:s5], s20  }
0x9e: {  	_ =	swait.ge [sflag:s22], s20  }
0x9f: {  	s4 =	ssub.s32 $0x0, s20;
	[sflag:s22] =	ssyncset.done $0x0  }
0xa0: {  	[sflag:s22] =	ssyncadd.s32 s4;
	_ =	sdelay $0x1  }
0xa1: {  	s23 =	simm.s32 $0x1B8B  }
0xa2: {  	_ =	swait.ge [sflag:s23], $0x1  }
0xa3: {  	[sflag:s23] =	ssyncset.done $0x0  }
0xa4: {  	s25 =	simm.s32 $0x1B8E;
	s24 =	sld [smem:$0x3FFE];
	[sflag:s23] =	ssyncadd.s32 $0xFFFFFFFF  }
0xa5: {  	s26 =	simm.s32 $execute0_lowered;
	[smem:$0x3FD2] =	sst s25  }
0xa6: {  	s5 =	sshll.u32 s26, $0x1;
	_ =	strace $0x80000046;
	[dreg:$0x1] =	wrdreg $0xFFFFFFFF  }
0xa7: {  	s28 =	simm.s32 $_size_execute0_lowered;
	s3 =	sadd.s32 s3, s5;
	[dreg:$0x0] =	wrdreg $0x0  }
0xa8: {  	s5 =	sshll.u32 s28, $0x1;
	[dreg:$0x2] =	wrdreg s3  }
0xa9: {  	[dreg:$0x3] =	wrdreg s5  }
0xaa: {  	[dreg:$0x4] =	wrdreg $0xC0  }
0xab: {  	_ =	task [dreg:s7], $0x5FFFF  }
0xac: {  	[dreg:$0x1] =	wrdreg $0xFFFFFFFF  }
0xad: {  	[dreg:$0x0] =	wrdreg $0x60  }
0xae: {  	[dreg:$0x2] =	wrdreg s24  }
0xaf: {  	[dreg:$0x3] =	wrdreg s2  }
0xb0: {  	[dreg:$0x4] =	wrdreg $0x9  }
0xb1: {  	_ =	task.clear_ibuf [dreg:s7], $0x5FFFF;
	_ =	strace $0x90000046  }
0xb2: {  	s29 =	simm.s32 $0x9;
	_ =	strace $0x80000048  }
0xb3: {  	_ =	swait.ge [sflag:s29], $0x1  }
0xb4: {  	[sflag:s29] =	ssyncadd.s32 $0xFFFFFFFF  }
0xb5: {  	_ =	strace $0x90000048  }
0xb6: {  	_ =	sfence  }
0xb7: {  	s30 =	sld [smem:$0x0];
	_ =	sdelay $0x2  }
0xb8: {  	s31 =	sshll.u32 s1, $0xD;
	s1 =	sshrl.u32 s1, $0x2  }
0xb9: {  	s3 =	sand.u32 $0x4000, s31;
	s1 =	sadd.s32 s1, s30  }
0xba: {  	s0 =	sor.u32 s3, s0;
	s1 =	sshll.u32 s1, $0x11  }
0xbb: {  	s0 =	sor.u32 s1, s0  }
0xbc: {  	s0 =	sadd.s32 $0x8F2B, s0  }
0xbd: {  	[sflag:s0] =	ssyncadd.remote.s32 $0x1  }
0xbe: {  	_ =	sfence.sel $0xFFFF  }
0xbf: {  	[dreg:$0x0] =	wrdreg $0xFFFFFFFF;
	(pc) =	sbr.abs _section_cstart, $3  }
0xc0: {  	[dreg:$0x1] =	wrdreg $0xFFFFFFFF  }
0xc1: {  	_ =	task.clear_ibuf [dreg:s7], $0x2FFFF;
	_ =	strace $0x9FFFFFFF  }
0xc2: {  	(tm) =	ssettm $0x7FFFFFFF  }
0xc3: {  	_ =	shalt  }
tec
execute0_lowered:
.L_overlay_start_1:
0x0: {  	(tag) =	ssettag $0x1  }
0x1: {  	v0 =	vimm.s32 $0x14B8;
	vm14 =	vcmask $0x300  }
0x2: {  	v1 =	vimm.s32 $0x36B8;
	vm13 =	vcmask $0x704;
	vm12 =	vcmask $0xB08  }
0x3: {  	vm11 =	vcmask $0xF0C;
	vm10 =	vcmask $0x1310;
	vm9 =	vcmask $0x1714  }
0x4: {  	vm8 =	vcmask $0x1B18;
	vm7 =	vcmask $0x1F1C;
	vm6 =	vcmask $0x2320  }
0x5: {  	vm5 =	vcmask $0x2724;
	vm4 =	vcmask $0x2B28;
	vm3 =	vcmask $0x2F2C  }
0x6: {  	vm1 =	vcmask $0x3330;
	vm2 =	vcmask $0x3734;
	vm0 =	vcmask $0x3B38  }
0x7: {  	v2 =	vimm.s32 $0x18F8;
	v3 =	vimm.s32 $0x3AF8;
	v4 =	vimm.s32 $0x1D38  }
0x8: {  	v5 =	vimm.s32 $0x3F38;
	v6 =	vimm.s32 $0x2178;
	v7 =	vimm.s32 $0x4378  }
0x9: {  	v0 =	vsel vm14, $0x0, v0;
	v1 =	vsel vm14, $0x2200, v1;
	v2 =	vsel vm14, $0x440, v2  }
0xa: {  	v3 =	vsel vm14, $0x2640, v3;
	v4 =	vsel vm14, $0x880, v4;
	v5 =	vsel vm14, $0x2A80, v5  }
0xb: {  	v6 =	vsel vm14, $0xCC0, v6;
	v7 =	vsel vm14, $0x2EC0, v7;
	v0 =	vsel vm13, $0x88, v0  }
0xc: {  	v1 =	vsel vm13, $0x2288, v1;
	v2 =	vsel vm13, $0x4C8, v2;
	v3 =	vsel vm13, $0x26C8, v3  }
0xd: {  	v4 =	vsel vm13, $0x908, v4;
	v5 =	vsel vm13, $0x2B08, v5;
	v6 =	vsel vm13, $0xD48, v6  }
0xe: {  	v7 =	vsel vm13, $0x2F48, v7;
	v0 =	vsel vm12, $0x110, v0;
	v1 =	vsel vm12, $0x2310, v1  }
0xf: {  	v2 =	vsel vm12, $0x550, v2;
	v3 =	vsel vm12, $0x2750, v3;
	v4 =	vsel vm12, $0x990, v4  }
0x10: {  	v5 =	vsel vm12, $0x2B90, v5;
	v6 =	vsel vm12, $0xDD0, v6;
	v7 =	vsel vm12, $0x2FD0, v7  }
0x11: {  	v0 =	vsel vm11, $0x198, v0;
	v1 =	vsel vm11, $0x2398, v1;
	v2 =	vsel vm11, $0x5D8, v2  }
0x12: {  	v3 =	vsel vm11, $0x27D8, v3;
	v4 =	vsel vm11, $0xA18, v4;
	v5 =	vsel vm11, $0x2C18, v5  }
0x13: {  	v6 =	vsel vm11, $0xE58, v6;
	v7 =	vsel vm11, $0x3058, v7;
	v0 =	vsel vm10, $0x220, v0  }
0x14: {  	v1 =	vsel vm10, $0x2420, v1;
	v2 =	vsel vm10, $0x660, v2;
	v3 =	vsel vm10, $0x2860, v3  }
0x15: {  	v4 =	vsel vm10, $0xAA0, v4;
	v5 =	vsel vm10, $0x2CA0, v5;
	v6 =	vsel vm10, $0xEE0, v6  }
0x16: {  	v7 =	vsel vm10, $0x30E0, v7;
	v0 =	vsel vm9, $0x2A8, v0;
	v1 =	vsel vm9, $0x24A8, v1  }
0x17: {  	v2 =	vsel vm9, $0x6E8, v2;
	v3 =	vsel vm9, $0x28E8, v3;
	v4 =	vsel vm9, $0xB28, v4  }
0x18: {  	v5 =	vsel vm9, $0x2D28, v5;
	v6 =	vsel vm9, $0xF68, v6;
	v7 =	vsel vm9, $0x3168, v7  }
0x19: {  	v0 =	vsel vm8, $0x330, v0;
	v1 =	vsel vm8, $0x2530, v1;
	v2 =	vsel vm8, $0x770, v2  }
0x1a: {  	v3 =	vsel vm8, $0x2970, v3;
	v4 =	vsel vm8, $0xBB0, v4;
	v5 =	vsel vm8, $0x2DB0, v5  }
0x1b: {  	v6 =	vsel vm8, $0xFF0, v6;
	v7 =	vsel vm8, $0x31F0, v7;
	v0 =	vsel vm7, $0x3B8, v0  }
0x1c: {  	v1 =	vsel vm7, $0x25B8, v1;
	v2 =	vsel vm7, $0x7F8, v2;
	v3 =	vsel vm7, $0x29F8, v3  }
0x1d: {  	v4 =	vsel vm7, $0xC38, v4;
	v5 =	vsel vm7, $0x2E38, v5;
	v6 =	vsel vm7, $0x1078, v6  }
0x1e: {  	v7 =	vsel vm7, $0x3278, v7;
	v0 =	vsel vm6, $0x1100, v0;
	v1 =	vsel vm6, $0x3300, v1  }
0x1f: {  	v2 =	vsel vm6, $0x1540, v2;
	v3 =	vsel vm6, $0x3740, v3;
	v4 =	vsel vm6, $0x1980, v4  }
0x20: {  	v5 =	vsel vm6, $0x3B80, v5;
	v6 =	vsel vm6, $0x1DC0, v6;
	v7 =	vsel vm6, $0x3FC0, v7  }
0x21: {  	v0 =	vsel vm5, $0x1188, v0;
	v1 =	vsel vm5, $0x3388, v1;
	v2 =	vsel vm5, $0x15C8, v2  }
0x22: {  	v3 =	vsel vm5, $0x37C8, v3;
	v4 =	vsel vm5, $0x1A08, v4;
	v5 =	vsel vm5, $0x3C08, v5  }
0x23: {  	v6 =	vsel vm5, $0x1E48, v6;
	v7 =	vsel vm5, $0x4048, v7;
	v0 =	vsel vm4, $0x1210, v0  }
0x24: {  	s0 =	rddreg [dreg:$0x0];
	v1 =	vsel vm4, $0x3410, v1;
	v2 =	vsel vm4, $0x1650, v2;
	v3 =	vsel vm4, $0x3850, v3  }
0x25: {  	s1 =	rddreg [dreg:$0x1];
	s2 =	srdreg.scid;
	v4 =	vsel vm4, $0x1A90, v4;
	v5 =	vsel vm4, $0x3C90, v5;
	v6 =	vsel vm4, $0x1ED0, v6  }
0x26: {  	s4 =	stileid.u32;
	s3 =	simm.s32 $0x0;
	s13 =	simm.s32 $0x5;
	v7 =	vsel vm4, $0x40D0, v7;
	v0 =	vsel vm3, $0x1298, v0;
	v1 =	vsel vm3, $0x3498, v1  }
0x27: {  	s14 =	simm.s32 $0x80;
	s20 =	simm.s32 $0x9400;
	s21 =	simm.s32 $0xA400;
	v2 =	vsel vm3, $0x16D8, v2;
	v3 =	vsel vm3, $0x38D8, v3;
	v4 =	vsel vm3, $0x1B18, v4  }
0x28: {  	s22 =	simm.s32 $0xB400;
	s23 =	simm.s32 $0xC400;
	s24 =	simm.s32 $0xD400;
	v5 =	vsel vm3, $0x3D18, v5;
	v6 =	vsel vm3, $0x1F58, v6;
	v7 =	vsel vm3, $0x4158, v7  }
0x29: {  	s25 =	simm.s32 $0x1;
	s28 =	simm.s32 $0x2;
	s29 =	simm.s32 $0x12800;
	v0 =	vsel vm1, $0x1320, v0;
	v1 =	vsel vm1, $0x3520, v1;
	v2 =	vsel vm1, $0x1760, v2  }
0x2a: {  	s30 =	simm.s32 $0x3;
	s31 =	simm.s32 $0x4;
	s2 =	sand.u32 $0x1, s2;
	v3 =	vsel vm1, $0x3960, v3;
	v4 =	vsel vm1, $0x1BA0, v4;
	v5 =	vsel vm1, $0x3DA0, v5  }
0x2b: {  	s4 =	sshll.u32 s4, $0x1;
	[smem:$0x7FF] =	sst s3;
	s8 =	sadd.s32 $0x8000, s1;
	v6 =	vsel vm1, $0x1FE0, v6;
	v7 =	vsel vm1, $0x41E0, v7;
	v0 =	vsel vm2, $0x13A8, v0  }
0x2c: {  	s9 =	sadd.s32 $0xC000, s1;
	s6 =	sor.u32 s2, s4;
	s2 =	ssub.s32 $0x2, s2;
	v1 =	vsel vm2, $0x35A8, v1;
	v2 =	vsel vm2, $0x17E8, v2;
	v3 =	vsel vm2, $0x39E8, v3  }
0x2d: {  	_ =	strace $0x80000047;
	s4 =	sshll.u32 s6, $0x6;
	s5 =	sshrl.u32 s2, $0x1;
	v4 =	vsel vm2, $0x1C28, v4;
	v5 =	vsel vm2, $0x3E28, v5;
	v6 =	vsel vm2, $0x2068, v6  }
0x2e: {  	s6 =	sshll.u32 s6, $0xC;
	s7 =	sadd.s32 s4, s0;
	s4 =	sadd.s32 $0xF42A00, s0;
	v7 =	vsel vm2, $0x4268, v7;
	v0 =	vsel vm0, $0x1430, v0;
	v1 =	vsel vm0, $0x3630, v1  }
0x2f: {  	s26 =	ssub.s32 s2, s5;
	s0 =	simm.s32 $0x0;
	s5 =	sadd.s32 $0x600, s7;
	v2 =	vsel vm0, $0x1870, v2;
	v3 =	vsel vm0, $0x3A70, v3;
	v4 =	vsel vm0, $0x1CB0, v4  }
0x30: {  	s7 =	sadd.s32 $0x4000, s1;
	s10 =	smax.u32 s26, $0x1;
	s26 =	simm.s32 $0xE400;
	v5 =	vsel vm0, $0x3EB0, v5;
	v6 =	vsel vm0, $0x20F0, v6;
	v7 =	vsel vm0, $0x42F0, v7  }
.LBB2_1:
0x31: {  	s2 =	simm.s32 $0x200;
	s11 =	simm.s32 $0x4000  }
0x32: {  	[tilespmem:s3], [sflag:$0x5] =	stream.strided.gather [hbm4b:s5+s2], $0x6400, s11, s2, $0x38;
	[tilespmem:$0x16C00] =	vst v63  }
0x33: {  	_ =	swait.ge [sflag:s13], $0x6400  }
0x34: {  	[sflag:s13] =	ssyncset.done $0x0  }
0x35: {  	s15 =	simm.s32 $0x6400;
	[sflag:s13] =	ssyncadd.s32 $0xFFFF9C00  }
0x36: {  	[tilespmem:s15], [sflag:$0x1] =	stream.indirect.gather [hbm4b:s4+s14], $0x20, s3, s14, $0xb8;
	[tilespmem:$0x16C00] =	vst v63  }
0x37: {  	s16 =	simm.s32 $0x7400  }
0x38: {  	[tilespmem:s16], [sflag:$0x1] =	stream.indirect.gather [hbm4b:s4+s14], $0x20, s14, s14, $0xb8;
	[tilespmem:$0x16C00] =	vst v63  }
0x39: {  	s17 =	simm.s32 $0x100;
	s18 =	simm.s32 $0x8400  }
0x3a: {  	[tilespmem:s18], [sflag:$0x1] =	stream.indirect.gather [hbm4b:s4+s14], $0x20, s17, s14, $0xb8;
	[tilespmem:$0x16C00] =	vst v63  }
0x3b: {  	s19 =	simm.s32 $0x180;
	s2 =	simm.s32 $0x0  }
0x3c: {  	[tilespmem:s20], [sflag:$0x1] =	stream.indirect.gather [hbm4b:s4+s14], $0x20, s19, s14, $0xb8;
	[tilespmem:$0x16C00] =	vst v63  }
.LBB2_2:
0x3d: {  	s11 =	sshllo.u32 s2, $0x1  }
0x3e: {  	s12 =	sshll.u32 s11, $0x9  }
0x3f: {  	s12 =	sand.u32 $0x3FFFFE00, s12  }
0x40: {  	[tilespmem:s21], [sflag:$0x2] =	stream.indirect.gather [hbm4b:s4+s14], $0x20, s12, s14, $0xb8;
	[tilespmem:$0x16C00] =	vst v63  }
0x41: {  	s15 =	sor.u32 $0x80, s12  }
0x42: {  	[tilespmem:s22], [sflag:$0x2] =	stream.indirect.gather [hbm4b:s4+s14], $0x20, s15, s14, $0xb8;
	[tilespmem:$0x16C00] =	vst v63  }
0x43: {  	s19 =	sor.u32 $0x100, s12  }
0x44: {  	[tilespmem:s23], [sflag:$0x2] =	stream.indirect.gather [hbm4b:s4+s14], $0x20, s19, s14, $0xb8;
	[tilespmem:$0x16C00] =	vst v63  }
0x45: {  	s12 =	sor.u32 $0x180, s12  }
0x46: {  	[tilespmem:s24], [sflag:$0x2] =	stream.indirect.gather [hbm4b:s4+s14], $0x20, s12, s14, $0xb8;
	[tilespmem:$0x16C00] =	vst v63  }
0x47: {  	_ =	swait.ge [sflag:s25], $0x1000  }
0x48: {  	[sflag:s25] =	ssyncset.done $0x0  }
0x49: {  	[sflag:s25] =	ssyncadd.s32 $0xFFFFF000  }
0x4a: {  	_ =	swait.ge [sflag:s25], $0x1000  }
0x4b: {  	[sflag:s25] =	ssyncset.done $0x0  }
0x4c: {  	[sflag:s25] =	ssyncadd.s32 $0xFFFFF000  }
0x4d: {  	_ =	swait.ge [sflag:s25], $0x1000  }
0x4e: {  	[sflag:s25] =	ssyncset.done $0x0  }
0x4f: {  	[sflag:s25] =	ssyncadd.s32 $0xFFFFF000  }
0x50: {  	_ =	swait.ge [sflag:s25], $0x1000  }
0x51: {  	p0 =	seq.s32 s2, $0x0;
	[sflag:s25] =	ssyncset.done $0x0  }
0x52: {  	s12 =	simm.s32 @!p0 $0x3;
	[sflag:s25] =	ssyncadd.s32 $0xFFFFF000  }
0x53: {  	_ =	swait.ge @!p0 [sflag:s12], $0x1000  }
0x54: {  	[sflag:s12] =	ssyncset.done @!p0 $0x0  }
0x55: {  	[sflag:s12] =	ssyncadd.s32 @!p0 $0xFFFFF000  }
0x56: {  	_ =	swait.ge @!p0 [sflag:s12], $0x1000  }
0x57: {  	[sflag:s12] =	ssyncset.done @!p0 $0x0  }
0x58: {  	[sflag:s12] =	ssyncadd.s32 @!p0 $0xFFFFF000  }
0x59: {  	_ =	swait.ge @!p0 [sflag:s12], $0x1000  }
0x5a: {  	[sflag:s12] =	ssyncset.done @!p0 $0x0  }
0x5b: {  	[sflag:s12] =	ssyncadd.s32 @!p0 $0xFFFFF000  }
0x5c: {  	s16 =	simm.s32 $0x0;
	_ =	swait.ge @!p0 [sflag:s12], $0x1000  }
0x5d: {  	v8 =	vmov s16;
	[sflag:s12] =	ssyncset.done @!p0 $0x0  }
0x5e: {  	v8 =	vand.u32 $0x7C, v8;
	[sflag:s12] =	ssyncadd.s32 @!p0 $0xFFFFF000;
	s12 =	simm.s32 $0x8400  }
0x5f: {  	v10 =	vadd.s32 v0, v8;
	v9 =	vld [tilespmem:s12+$0xFFFFE000]  }
0x60: {  	v12 =	vadd.s32 v1, v8;
	v11 =	vld [tilespmem:s12+$0xFFFFE010];
	_ =	sdelay $0x3  }
0x61: {  	[tilespmem:v10+s26+$0x0] =	vst.idx.msk $0xffff, v9  }
0x62: {  	[tilespmem:v12+s26+$0x0] =	vst.idx.msk $0xffff, v11  }
0x63: {  	v10 =	vadd.s32 v2, v8;
	v9 =	vld [tilespmem:s12+$0xFFFFF000]  }
0x64: {  	v52 =	vadd.s32 v3, v8;
	v11 =	vld [tilespmem:s12+$0xFFFFF010];
	_ =	sdelay $0x3  }
0x65: {  	[tilespmem:v10+s26+$0x0] =	vst.idx.msk $0xffff, v9  }
0x66: {  	[tilespmem:v52+s26+$0x0] =	vst.idx.msk $0xffff, v11  }
0x67: {  	v10 =	vadd.s32 v4, v8;
	v9 =	vld [tilespmem:s12+$0x0]  }
0x68: {  	v53 =	vadd.s32 v5, v8;
	v11 =	vld [tilespmem:s12+$0x10];
	_ =	sdelay $0x3  }
0x69: {  	[tilespmem:v10+s26+$0x0] =	vst.idx.msk $0xffff, v9  }
0x6a: {  	[tilespmem:v53+s26+$0x0] =	vst.idx.msk $0xffff, v11  }
0x6b: {  	v10 =	vadd.s32 v6, v8;
	v9 =	vld [tilespmem:s12+$0x1000]  }
0x6c: {  	v8 =	vadd.s32 v7, v8;
	v11 =	vld [tilespmem:s12+$0x1010];
	_ =	sdelay $0x2  }
0x6d: {  	s17 =	simm.s32 $0x1  }
0x6e: {  	[tilespmem:v10+s26+$0x0] =	vst.idx.msk $0xffff, v9;
	v9 =	vmov s17  }
0x6f: {  	[tilespmem:v8+s26+$0x0] =	vst.idx.msk $0xffff, v11;
	v8 =	vand.u32 $0x7D, v9  }
0x70: {  	v9 =	vld [tilespmem:s12+$0xFFFFE020];
	v10 =	vadd.s32 v0, v8  }
0x71: {  	v11 =	vld [tilespmem:s12+$0xFFFFE030];
	v54 =	vadd.s32 v1, v8;
	_ =	sdelay $0x3  }
0x72: {  	[tilespmem:v10+s26+$0x0] =	vst.idx.msk $0xffff, v9  }
0x73: {  	[tilespmem:v54+s26+$0x0] =	vst.idx.msk $0xffff, v11  }
0x74: {  	v10 =	vadd.s32 v2, v8;
	v9 =	vld [tilespmem:s12+$0xFFFFF020]  }
0x75: {  	v55 =	vadd.s32 v3, v8;
	v11 =	vld [tilespmem:s12+$0xFFFFF030];
	_ =	sdelay $0x3  }
0x76: {  	[tilespmem:v10+s26+$0x0] =	vst.idx.msk $0xffff, v9  }
0x77: {  	[tilespmem:v55+s26+$0x0] =	vst.idx.msk $0xffff, v11  }
0x78: {  	v10 =	vadd.s32 v4, v8;
	v9 =	vld [tilespmem:s12+$0x20]  }
0x79: {  	v56 =	vadd.s32 v5, v8;
	v11 =	vld [tilespmem:s12+$0x30];
	_ =	sdelay $0x3  }
0x7a: {  	[tilespmem:v10+s26+$0x0] =	vst.idx.msk $0xffff, v9  }
0x7b: {  	[tilespmem:v56+s26+$0x0] =	vst.idx.msk $0xffff, v11  }
0x7c: {  	v10 =	vadd.s32 v6, v8;
	v9 =	vld [tilespmem:s12+$0x1020]  }
0x7d: {  	v8 =	vadd.s32 v7, v8;
	v11 =	vld [tilespmem:s12+$0x1030];
	_ =	sdelay $0x2  }
0x7e: {  	s18 =	simm.s32 $0x2  }
0x7f: {  	[tilespmem:v10+s26+$0x0] =	vst.idx.msk $0xffff, v9;
	v9 =	vmov s18  }
0x80: {  	[tilespmem:v8+s26+$0x0] =	vst.idx.msk $0xffff, v11;
	v8 =	vand.u32 $0x7E, v9  }
0x81: {  	v9 =	vld [tilespmem:s12+$0xFFFFE040];
	v10 =	vadd.s32 v0, v8  }
0x82: {  	v11 =	vld [tilespmem:s12+$0xFFFFE050];
	v57 =	vadd.s32 v1, v8;
	_ =	sdelay $0x3  }
0x83: {  	[tilespmem:v10+s26+$0x0] =	vst.idx.msk $0xffff, v9  }
0x84: {  	[tilespmem:v57+s26+$0x0] =	vst.idx.msk $0xffff, v11  }
0x85: {  	v10 =	vadd.s32 v2, v8;
	v9 =	vld [tilespmem:s12+$0xFFFFF040]  }
0x86: {  	v58 =	vadd.s32 v3, v8;
	v11 =	vld [tilespmem:s12+$0xFFFFF050];
	_ =	sdelay $0x3  }
0x87: {  	[tilespmem:v10+s26+$0x0] =	vst.idx.msk $0xffff, v9  }
0x88: {  	[tilespmem:v58+s26+$0x0] =	vst.idx.msk $0xffff, v11  }
0x89: {  	v10 =	vadd.s32 v4, v8;
	v9 =	vld [tilespmem:s12+$0x40]  }
0x8a: {  	v59 =	vadd.s32 v5, v8;
	v11 =	vld [tilespmem:s12+$0x50];
	_ =	sdelay $0x3  }
0x8b: {  	[tilespmem:v10+s26+$0x0] =	vst.idx.msk $0xffff, v9  }
0x8c: {  	[tilespmem:v59+s26+$0x0] =	vst.idx.msk $0xffff, v11  }
0x8d: {  	v10 =	vadd.s32 v6, v8;
	v9 =	vld [tilespmem:s12+$0x1040]  }
0x8e: {  	v8 =	vadd.s32 v7, v8;
	v11 =	vld [tilespmem:s12+$0x1050];
	_ =	sdelay $0x2  }
0x8f: {  	s19 =	simm.s32 $0x3  }
0x90: {  	[tilespmem:v10+s26+$0x0] =	vst.idx.msk $0xffff, v9;
	v9 =	vmov s19  }
0x91: {  	[tilespmem:v8+s26+$0x0] =	vst.idx.msk $0xffff, v11;
	v9 =	vand.u32 $0x7F, v9  }
0x92: {  	v8 =	vld [tilespmem:s12+$0xFFFFE060];
	v10 =	vadd.s32 v0, v9  }
0x93: {  	v11 =	vld [tilespmem:s12+$0xFFFFE070];
	v60 =	vadd.s32 v1, v9;
	_ =	sdelay $0x3  }
0x94: {  	[tilespmem:v10+s26+$0x0] =	vst.idx.msk $0xffff, v8  }
0x95: {  	[tilespmem:v60+s26+$0x0] =	vst.idx.msk $0xffff, v11  }
0x96: {  	v10 =	vadd.s32 v2, v9;
	v8 =	vld [tilespmem:s12+$0xFFFFF060]  }
0x97: {  	v61 =	vadd.s32 v3, v9;
	v11 =	vld [tilespmem:s12+$0xFFFFF070];
	_ =	sdelay $0x3  }
0x98: {  	[tilespmem:v10+s26+$0x0] =	vst.idx.msk $0xffff, v8  }
0x99: {  	[tilespmem:v61+s26+$0x0] =	vst.idx.msk $0xffff, v11  }
0x9a: {  	v10 =	vadd.s32 v4, v9;
	v8 =	vld [tilespmem:s12+$0x60]  }
0x9b: {  	v62 =	vadd.s32 v5, v9;
	v11 =	vld [tilespmem:s12+$0x70];
	_ =	sdelay $0x3  }
0x9c: {  	[tilespmem:v10+s26+$0x0] =	vst.idx.msk $0xffff, v8  }
0x9d: {  	[tilespmem:v62+s26+$0x0] =	vst.idx.msk $0xffff, v11  }
0x9e: {  	v63 =	vadd.s32 v6, v9;
	v11 =	vld [tilespmem:s12+$0x1060];
	_ =	sdelay $0x1  }
0x9f: {  	v9 =	vadd.s32 v7, v9;
	v8 =	vld [tilespmem:s12+$0x1070];
	_ =	sdelay $0x1  }
0xa0: {  	s15 =	simm.s32 $0x4  }
0xa1: {  	s16 =	simm.s32 $0x8;
	v10 =	vmov s15;
	[tilespmem:v63+s26+$0x0] =	vst.idx.msk $0xffff, v11  }
.LBB2_3:
0xa2: {  	p1 =	sne.s32 s16, $0x7C  }
0xa3: {  	v10 =	vand.u32 $0x7C, v10;
	[tilespmem:v9+s26+$0x0] =	vst.idx.msk $0xffff, v8;
	s12 =	sadd.s32 $0x80, s12;
	s17 =	smov.u32 s16;
	s16 =	sadd.s32 $0x4, s16  }
0xa4: {  	v8 =	vld [tilespmem:s12+$0xFFFFE000];
	v9 =	vadd.s32 v0, v10  }
0xa5: {  	v12 =	vadd.s32 v1, v10;
	v11 =	vld [tilespmem:s12+$0xFFFFE010];
	_ =	sdelay $0x3  }
0xa6: {  	[tilespmem:v9+s26+$0x0] =	vst.idx.msk $0xffff, v8  }
0xa7: {  	[tilespmem:v12+s26+$0x0] =	vst.idx.msk $0xffff, v11  }
0xa8: {  	v9 =	vadd.s32 v2, v10;
	v8 =	vld [tilespmem:s12+$0xFFFFF000]  }
0xa9: {  	v12 =	vadd.s32 v3, v10;
	v11 =	vld [tilespmem:s12+$0xFFFFF010];
	_ =	sdelay $0x3  }
0xaa: {  	[tilespmem:v9+s26+$0x0] =	vst.idx.msk $0xffff, v8  }
0xab: {  	[tilespmem:v12+s26+$0x0] =	vst.idx.msk $0xffff, v11  }
0xac: {  	v9 =	vadd.s32 v4, v10;
	v8 =	vld [tilespmem:s12+$0x0]  }
0xad: {  	v12 =	vadd.s32 v5, v10;
	v11 =	vld [tilespmem:s12+$0x10];
	_ =	sdelay $0x3  }
0xae: {  	[tilespmem:v9+s26+$0x0] =	vst.idx.msk $0xffff, v8  }
0xaf: {  	[tilespmem:v12+s26+$0x0] =	vst.idx.msk $0xffff, v11  }
0xb0: {  	v9 =	vadd.s32 v6, v10;
	v8 =	vld [tilespmem:s12+$0x1000]  }
0xb1: {  	v10 =	vadd.s32 v7, v10;
	v11 =	vld [tilespmem:s12+$0x1010];
	_ =	sdelay $0x2  }
0xb2: {  	s18 =	sadd.s32 $0x1, s15  }
0xb3: {  	[tilespmem:v9+s26+$0x0] =	vst.idx.msk $0xffff, v8;
	v8 =	vmov s18  }
0xb4: {  	[tilespmem:v10+s26+$0x0] =	vst.idx.msk $0xffff, v11;
	v8 =	vand.u32 $0x7D, v8  }
0xb5: {  	v9 =	vld [tilespmem:s12+$0xFFFFE020];
	v10 =	vadd.s32 v0, v8  }
0xb6: {  	v12 =	vadd.s32 v1, v8;
	v11 =	vld [tilespmem:s12+$0xFFFFE030];
	_ =	sdelay $0x3  }
0xb7: {  	[tilespmem:v10+s26+$0x0] =	vst.idx.msk $0xffff, v9  }
0xb8: {  	[tilespmem:v12+s26+$0x0] =	vst.idx.msk $0xffff, v11  }
0xb9: {  	v10 =	vadd.s32 v2, v8;
	v9 =	vld [tilespmem:s12+$0xFFFFF020]  }
0xba: {  	v12 =	vadd.s32 v3, v8;
	v11 =	vld [tilespmem:s12+$0xFFFFF030];
	_ =	sdelay $0x3  }
0xbb: {  	[tilespmem:v10+s26+$0x0] =	vst.idx.msk $0xffff, v9  }
0xbc: {  	[tilespmem:v12+s26+$0x0] =	vst.idx.msk $0xffff, v11  }
0xbd: {  	v10 =	vadd.s32 v4, v8;
	v9 =	vld [tilespmem:s12+$0x20]  }
0xbe: {  	v12 =	vadd.s32 v5, v8;
	v11 =	vld [tilespmem:s12+$0x30];
	_ =	sdelay $0x3  }
0xbf: {  	[tilespmem:v10+s26+$0x0] =	vst.idx.msk $0xffff, v9  }
0xc0: {  	[tilespmem:v12+s26+$0x0] =	vst.idx.msk $0xffff, v11  }
0xc1: {  	v10 =	vadd.s32 v6, v8;
	v9 =	vld [tilespmem:s12+$0x1020]  }
0xc2: {  	v8 =	vadd.s32 v7, v8;
	v11 =	vld [tilespmem:s12+$0x1030];
	_ =	sdelay $0x2  }
0xc3: {  	s18 =	sadd.s32 $0x2, s15  }
0xc4: {  	[tilespmem:v10+s26+$0x0] =	vst.idx.msk $0xffff, v9;
	v9 =	vmov s18  }
0xc5: {  	[tilespmem:v8+s26+$0x0] =	vst.idx.msk $0xffff, v11;
	v8 =	vand.u32 $0x7E, v9  }
0xc6: {  	v9 =	vld [tilespmem:s12+$0xFFFFE040];
	v10 =	vadd.s32 v0, v8  }
0xc7: {  	v12 =	vadd.s32 v1, v8;
	v11 =	vld [tilespmem:s12+$0xFFFFE050];
	_ =	sdelay $0x3  }
0xc8: {  	[tilespmem:v10+s26+$0x0] =	vst.idx.msk $0xffff, v9  }
0xc9: {  	[tilespmem:v12+s26+$0x0] =	vst.idx.msk $0xffff, v11  }
0xca: {  	v10 =	vadd.s32 v2, v8;
	v9 =	vld [tilespmem:s12+$0xFFFFF040]  }
0xcb: {  	v12 =	vadd.s32 v3, v8;
	v11 =	vld [tilespmem:s12+$0xFFFFF050];
	_ =	sdelay $0x3  }
0xcc: {  	[tilespmem:v10+s26+$0x0] =	vst.idx.msk $0xffff, v9  }
0xcd: {  	[tilespmem:v12+s26+$0x0] =	vst.idx.msk $0xffff, v11  }
0xce: {  	v10 =	vadd.s32 v4, v8;
	v9 =	vld [tilespmem:s12+$0x40]  }
0xcf: {  	v12 =	vadd.s32 v5, v8;
	v11 =	vld [tilespmem:s12+$0x50];
	_ =	sdelay $0x3  }
0xd0: {  	[tilespmem:v10+s26+$0x0] =	vst.idx.msk $0xffff, v9  }
0xd1: {  	[tilespmem:v12+s26+$0x0] =	vst.idx.msk $0xffff, v11  }
0xd2: {  	v10 =	vadd.s32 v6, v8;
	v9 =	vld [tilespmem:s12+$0x1040]  }
0xd3: {  	v8 =	vadd.s32 v7, v8;
	v11 =	vld [tilespmem:s12+$0x1050];
	_ =	sdelay $0x2  }
0xd4: {  	s18 =	sadd.s32 $0x3, s15;
	s15 =	smov.u32 s17  }
0xd5: {  	[tilespmem:v10+s26+$0x0] =	vst.idx.msk $0xffff, v9;
	v9 =	vmov s18  }
0xd6: {  	[tilespmem:v8+s26+$0x0] =	vst.idx.msk $0xffff, v11;
	v9 =	vand.u32 $0x7F, v9  }
0xd7: {  	v8 =	vld [tilespmem:s12+$0xFFFFE060];
	v10 =	vadd.s32 v0, v9  }
0xd8: {  	v12 =	vadd.s32 v1, v9;
	v11 =	vld [tilespmem:s12+$0xFFFFE070];
	_ =	sdelay $0x3  }
0xd9: {  	[tilespmem:v10+s26+$0x0] =	vst.idx.msk $0xffff, v8  }
0xda: {  	[tilespmem:v12+s26+$0x0] =	vst.idx.msk $0xffff, v11  }
0xdb: {  	v10 =	vadd.s32 v2, v9;
	v8 =	vld [tilespmem:s12+$0xFFFFF060]  }
0xdc: {  	v12 =	vadd.s32 v3, v9;
	v11 =	vld [tilespmem:s12+$0xFFFFF070];
	_ =	sdelay $0x3  }
0xdd: {  	[tilespmem:v10+s26+$0x0] =	vst.idx.msk $0xffff, v8  }
0xde: {  	[tilespmem:v12+s26+$0x0] =	vst.idx.msk $0xffff, v11  }
0xdf: {  	v10 =	vadd.s32 v4, v9;
	v8 =	vld [tilespmem:s12+$0x60]  }
0xe0: {  	v12 =	vadd.s32 v5, v9;
	v11 =	vld [tilespmem:s12+$0x70];
	_ =	sdelay $0x3  }
0xe1: {  	[tilespmem:v10+s26+$0x0] =	vst.idx.msk $0xffff, v8  }
0xe2: {  	[tilespmem:v12+s26+$0x0] =	vst.idx.msk $0xffff, v11  }
0xe3: {  	v12 =	vadd.s32 v6, v9;
	v11 =	vld [tilespmem:s12+$0x1060]  }
.Ltmp0:
0xe4: {  	v9 =	vadd.s32 v7, v9;
	v8 =	vld [tilespmem:s12+$0x1070];
	(pc) =	sbr.rel @p1 .LBB2_3-.Ltmp0, $2  }
0xe5: {  	_ =	sdelay $0x2  }
0xe6: {  	v10 =	vmov s15;
	[tilespmem:v12+s26+$0x0] =	vst.idx.msk $0xffff, v11  }
0xe7: {  	_ =	sdelay $0x3  }
0xe8: {  	v10 =	vand.u32 $0x7C, v10;
	[tilespmem:v9+s26+$0x0] =	vst.idx.msk $0xffff, v8;
	s12 =	sadd.s32 $0x80, s12  }
0xe9: {  	v8 =	vld [tilespmem:s12+$0xFFFFE000];
	v33 =	vadd.s32 v0, v10  }
0xea: {  	v11 =	vld [tilespmem:s12+$0xFFFFE010];
	v12 =	vadd.s32 v1, v10;
	_ =	sdelay $0x3  }
0xeb: {  	[tilespmem:v33+s26+$0x0] =	vst.idx.msk $0xffff, v8  }
0xec: {  	[tilespmem:v12+s26+$0x0] =	vst.idx.msk $0xffff, v11  }
0xed: {  	v34 =	vadd.s32 v2, v10;
	v8 =	vld [tilespmem:s12+$0xFFFFF000]  }
0xee: {  	v35 =	vadd.s32 v3, v10;
	v11 =	vld [tilespmem:s12+$0xFFFFF010];
	_ =	sdelay $0x3  }
0xef: {  	[tilespmem:v34+s26+$0x0] =	vst.idx.msk $0xffff, v8  }
0xf0: {  	[tilespmem:v35+s26+$0x0] =	vst.idx.msk $0xffff, v11  }
0xf1: {  	v36 =	vadd.s32 v4, v10;
	v8 =	vld [tilespmem:s12+$0x0]  }
0xf2: {  	v37 =	vadd.s32 v5, v10;
	v11 =	vld [tilespmem:s12+$0x10];
	_ =	sdelay $0x3  }
0xf3: {  	[tilespmem:v36+s26+$0x0] =	vst.idx.msk $0xffff, v8  }
0xf4: {  	[tilespmem:v37+s26+$0x0] =	vst.idx.msk $0xffff, v11  }
0xf5: {  	v38 =	vadd.s32 v6, v10;
	v8 =	vld [tilespmem:s12+$0x1000]  }
0xf6: {  	v10 =	vadd.s32 v7, v10;
	v11 =	vld [tilespmem:s12+$0x1010];
	_ =	sdelay $0x2  }
0xf7: {  	s16 =	sadd.s32 $0x1, s15  }
0xf8: {  	[tilespmem:v38+s26+$0x0] =	vst.idx.msk $0xffff, v8;
	v8 =	vmov s16  }
0xf9: {  	[tilespmem:v10+s26+$0x0] =	vst.idx.msk $0xffff, v11;
	v8 =	vand.u32 $0x7D, v8  }
0xfa: {  	v9 =	vld [tilespmem:s12+$0xFFFFE020];
	v39 =	vadd.s32 v0, v8  }
0xfb: {  	v11 =	vld [tilespmem:s12+$0xFFFFE030];
	v40 =	vadd.s32 v1, v8;
	_ =	sdelay $0x3  }
0xfc: {  	[tilespmem:v39+s26+$0x0] =	vst.idx.msk $0xffff, v9  }
0xfd: {  	[tilespmem:v40+s26+$0x0] =	vst.idx.msk $0xffff, v11  }
0xfe: {  	v41 =	vadd.s32 v2, v8;
	v9 =	vld [tilespmem:s12+$0xFFFFF020]  }
0xff: {  	v42 =	vadd.s32 v3, v8;
	v11 =	vld [tilespmem:s12+$0xFFFFF030];
	_ =	sdelay $0x3  }
0x100: {  	[tilespmem:v41+s26+$0x0] =	vst.idx.msk $0xffff, v9  }
0x101: {  	[tilespmem:v42+s26+$0x0] =	vst.idx.msk $0xffff, v11  }
0x102: {  	v43 =	vadd.s32 v4, v8;
	v9 =	vld [tilespmem:s12+$0x20]  }
0x103: {  	v44 =	vadd.s32 v5, v8;
	v11 =	vld [tilespmem:s12+$0x30];
	_ =	sdelay $0x3  }
0x104: {  	[tilespmem:v43+s26+$0x0] =	vst.idx.msk $0xffff, v9  }
0x105: {  	[tilespmem:v44+s26+$0x0] =	vst.idx.msk $0xffff, v11  }
0x106: {  	v45 =	vadd.s32 v6, v8;
	v9 =	vld [tilespmem:s12+$0x1020]  }
0x107: {  	v8 =	vadd.s32 v7, v8;
	v11 =	vld [tilespmem:s12+$0x1030];
	_ =	sdelay $0x2  }
0x108: {  	s17 =	sadd.s32 $0x2, s15  }
0x109: {  	v46 =	vmov s17;
	[tilespmem:v45+s26+$0x0] =	vst.idx.msk $0xffff, v9  }
0x10a: {  	[tilespmem:v8+s26+$0x0] =	vst.idx.msk $0xffff, v11;
	v8 =	vand.u32 $0x7E, v46  }
0x10b: {  	v47 =	vld [tilespmem:s12+$0xFFFFE040];
	v48 =	vadd.s32 v0, v8  }
0x10c: {  	v11 =	vld [tilespmem:s12+$0xFFFFE050];
	v49 =	vadd.s32 v1, v8;
	_ =	sdelay $0x3  }
0x10d: {  	[tilespmem:v48+s26+$0x0] =	vst.idx.msk $0xffff, v47  }
0x10e: {  	[tilespmem:v49+s26+$0x0] =	vst.idx.msk $0xffff, v11  }
0x10f: {  	v50 =	vadd.s32 v2, v8;
	v9 =	vld [tilespmem:s12+$0xFFFFF040]  }
0x110: {  	v51 =	vadd.s32 v3, v8;
	v11 =	vld [tilespmem:s12+$0xFFFFF050];
	_ =	sdelay $0x3  }
0x111: {  	[tilespmem:v50+s26+$0x0] =	vst.idx.msk $0xffff, v9  }
0x112: {  	[tilespmem:v51+s26+$0x0] =	vst.idx.msk $0xffff, v11  }
0x113: {  	v52 =	vadd.s32 v4, v8;
	v9 =	vld [tilespmem:s12+$0x40]  }
0x114: {  	v53 =	vadd.s32 v5, v8;
	v11 =	vld [tilespmem:s12+$0x50];
	_ =	sdelay $0x3  }
0x115: {  	[tilespmem:v52+s26+$0x0] =	vst.idx.msk $0xffff, v9  }
0x116: {  	[tilespmem:v53+s26+$0x0] =	vst.idx.msk $0xffff, v11  }
0x117: {  	v54 =	vadd.s32 v6, v8;
	v9 =	vld [tilespmem:s12+$0x1040]  }
0x118: {  	v8 =	vadd.s32 v7, v8;
	v11 =	vld [tilespmem:s12+$0x1050];
	_ =	sdelay $0x2  }
0x119: {  	s18 =	sadd.s32 $0x3, s15  }
0x11a: {  	v55 =	vmov s18;
	[tilespmem:v54+s26+$0x0] =	vst.idx.msk $0xffff, v9  }
0x11b: {  	[tilespmem:v8+s26+$0x0] =	vst.idx.msk $0xffff, v11;
	v8 =	vand.u32 $0x7F, v55  }
0x11c: {  	v56 =	vld [tilespmem:s12+$0xFFFFE060];
	v57 =	vadd.s32 v0, v8  }
0x11d: {  	v11 =	vld [tilespmem:s12+$0xFFFFE070];
	v58 =	vadd.s32 v1, v8;
	_ =	sdelay $0x3  }
0x11e: {  	[tilespmem:v57+s26+$0x0] =	vst.idx.msk $0xffff, v56  }
0x11f: {  	[tilespmem:v58+s26+$0x0] =	vst.idx.msk $0xffff, v11  }
0x120: {  	v59 =	vadd.s32 v2, v8;
	v9 =	vld [tilespmem:s12+$0xFFFFF060]  }
0x121: {  	v60 =	vadd.s32 v3, v8;
	v11 =	vld [tilespmem:s12+$0xFFFFF070];
	_ =	sdelay $0x3  }
0x122: {  	[tilespmem:v59+s26+$0x0] =	vst.idx.msk $0xffff, v9  }
0x123: {  	[tilespmem:v60+s26+$0x0] =	vst.idx.msk $0xffff, v11  }
0x124: {  	v61 =	vadd.s32 v4, v8;
	v9 =	vld [tilespmem:s12+$0x60]  }
0x125: {  	v62 =	vadd.s32 v5, v8;
	v11 =	vld [tilespmem:s12+$0x70];
	_ =	sdelay $0x3  }
0x126: {  	[tilespmem:v61+s26+$0x0] =	vst.idx.msk $0xffff, v9  }
0x127: {  	[tilespmem:v62+s26+$0x0] =	vst.idx.msk $0xffff, v11  }
0x128: {  	v63 =	vadd.s32 v6, v8;
	v9 =	vld [tilespmem:s12+$0x1060]  }
0x129: {  	v8 =	vadd.s32 v7, v8;
	v11 =	vld [tilespmem:s12+$0x1070]  }
0x12a: {  	s19 =	sshll.u32 s2, $0x14  }
0x12b: {  	s12 =	sor.u32 s6, s19  }
0x12c: {  	s12 =	sshrl.u32 s12, $0x3  }
0x12d: {  	s17 =	simm.s32 $0x10;
	s15 =	sadd.s32 s1, s12;
	[tilespmem:v63+s26+$0x0] =	vst.idx.msk $0xffff, v9  }
0x12e: {  	s18 =	simm.s32 $0xE488;
	s16 =	simm.s32 $0xE400;
	s19 =	sadd.s32 $0x0, s15;
	[tilespmem:v8+s26+$0x0] =	vst.idx.msk $0xffff, v11  }
.LBB2_5:
0x12f: {  	[hbm4b:s19+s3] =	stream.linear.scatter [tilespmem:s16], [sflag:$0x3], $0x80, $0x38;
	[tilespmem:$0x16C00] =	vst v63  }
0x130: {  	s19 =	smov.u32 s17;
	s16 =	smov.u32 s18;
	p1 =	sne.s32 s17, $0x1F0  }
.Ltmp1:
0x131: {  	s17 =	sadd.s32 $0x10, s17;
	(pc) =	sbr.rel @p1 .LBB2_5-.Ltmp1, $2  }
0x132: {  	_ =	sdelay $0x2  }
0x133: {  	s18 =	sadd.s32 $0x88, s18;
	s19 =	sadd.s32 s19, s15  }
0x134: {  	[hbm4b:s19+s3] =	stream.linear.scatter [tilespmem:s16], [sflag:$0x3], $0x80, $0x38;
	[tilespmem:$0x16C00] =	vst v63  }
0x135: {  	s15 =	sadd.s32 s12, s7;
	s16 =	simm.s32 $0xF500  }
0x136: {  	s17 =	simm.s32 $0x10;
	s18 =	simm.s32 $0xF588;
	s19 =	sadd.s32 $0x0, s15  }
.LBB2_7:
0x137: {  	[hbm4b:s19+s3] =	stream.linear.scatter [tilespmem:s16], [sflag:$0x3], $0x80, $0x38;
	[tilespmem:$0x16C00] =	vst v63  }
0x138: {  	s19 =	smov.u32 s17;
	s16 =	smov.u32 s18;
	p1 =	sne.s32 s17, $0x1F0  }
.Ltmp2:
0x139: {  	s17 =	sadd.s32 $0x10, s17;
	(pc) =	sbr.rel @p1 .LBB2_7-.Ltmp2, $2  }
0x13a: {  	_ =	sdelay $0x2  }
0x13b: {  	s18 =	sadd.s32 $0x88, s18;
	s19 =	sadd.s32 s19, s15  }
0x13c: {  	[hbm4b:s19+s3] =	stream.linear.scatter [tilespmem:s16], [sflag:$0x3], $0x80, $0x38;
	[tilespmem:$0x16C00] =	vst v63  }
0x13d: {  	s15 =	sadd.s32 s12, s8;
	s16 =	simm.s32 $0x10600  }
0x13e: {  	s17 =	simm.s32 $0x10;
	s18 =	simm.s32 $0x10688;
	s19 =	sadd.s32 $0x0, s15  }
.LBB2_9:
0x13f: {  	[hbm4b:s19+s3] =	stream.linear.scatter [tilespmem:s16], [sflag:$0x3], $0x80, $0x38;
	[tilespmem:$0x16C00] =	vst v63  }
0x140: {  	s19 =	smov.u32 s17;
	s16 =	smov.u32 s18;
	p1 =	sne.s32 s17, $0x1F0  }
.Ltmp3:
0x141: {  	s17 =	sadd.s32 $0x10, s17;
	(pc) =	sbr.rel @p1 .LBB2_9-.Ltmp3, $2  }
0x142: {  	_ =	sdelay $0x2  }
0x143: {  	s18 =	sadd.s32 $0x88, s18;
	s19 =	sadd.s32 s19, s15  }
0x144: {  	[hbm4b:s19+s3] =	stream.linear.scatter [tilespmem:s16], [sflag:$0x3], $0x80, $0x38;
	[tilespmem:$0x16C00] =	vst v63  }
0x145: {  	s12 =	sadd.s32 s12, s9;
	s15 =	simm.s32 $0x11700  }
0x146: {  	s16 =	simm.s32 $0x10;
	s17 =	simm.s32 $0x11788;
	s18 =	sadd.s32 $0x0, s12  }
.LBB2_11:
0x147: {  	[hbm4b:s18+s3] =	stream.linear.scatter [tilespmem:s15], [sflag:$0x3], $0x80, $0x38;
	[tilespmem:$0x16C00] =	vst v63  }
0x148: {  	s18 =	smov.u32 s16;
	s15 =	smov.u32 s17;
	p1 =	sne.s32 s16, $0x1F0  }
.Ltmp4:
0x149: {  	s16 =	sadd.s32 $0x10, s16;
	(pc) =	sbr.rel @p1 .LBB2_11-.Ltmp4, $2  }
0x14a: {  	_ =	sdelay $0x2  }
0x14b: {  	s17 =	sadd.s32 $0x88, s17;
	s18 =	sadd.s32 s18, s12  }
0x14c: {  	[hbm4b:s18+s3] =	stream.linear.scatter [tilespmem:s15], [sflag:$0x3], $0x80, $0x38;
	[tilespmem:$0x16C00] =	vst v63  }
0x14d: {  	p1 =	seq.s32 s2, $0x18  }
0x14e: {  	s12 =	sshll.u32 @!p1 s2, $0xA  }
0x14f: {  	s12 =	sand.u32 @!p1 $0x3FFFFC00, s12  }
0x150: {  	s16 =	simm.s32 @!p1 $0x80;
	s17 =	simm.s32 @!p1 $0x6400;
	s15 =	sadd.s32 @!p1 $0x400, s12  }
0x151: {  	[tilespmem:s17], [sflag:$0x1] =	stream.indirect.gather @!p1 [hbm4b:s4+s16], $0x20, s15, s16, $0xb8;
	[tilespmem:$0x16C00] =	vst v63  }
0x152: {  	s15 =	sadd.s32 @!p1 $0x480, s12;
	s17 =	simm.s32 @!p1 $0x7400  }
0x153: {  	[tilespmem:s17], [sflag:$0x1] =	stream.indirect.gather @!p1 [hbm4b:s4+s16], $0x20, s15, s16, $0xb8;
	[tilespmem:$0x16C00] =	vst v63  }
0x154: {  	s15 =	sadd.s32 @!p1 $0x500, s12;
	s17 =	simm.s32 @!p1 $0x8400  }
0x155: {  	[tilespmem:s17], [sflag:$0x1] =	stream.indirect.gather @!p1 [hbm4b:s4+s16], $0x20, s15, s16, $0xb8;
	[tilespmem:$0x16C00] =	vst v63  }
0x156: {  	s12 =	sadd.s32 @!p1 $0x580, s12;
	s15 =	simm.s32 @!p1 $0x9400  }
0x157: {  	[tilespmem:s15], [sflag:$0x1] =	stream.indirect.gather @!p1 [hbm4b:s4+s16], $0x20, s12, s16, $0xb8;
	[tilespmem:$0x16C00] =	vst v63  }
0x158: {  	_ =	swait.ge [sflag:s28], $0x1000  }
0x159: {  	[sflag:s28] =	ssyncset.done $0x0  }
0x15a: {  	[sflag:s28] =	ssyncadd.s32 $0xFFFFF000  }
0x15b: {  	_ =	swait.ge [sflag:s28], $0x1000  }
0x15c: {  	[sflag:s28] =	ssyncset.done $0x0  }
0x15d: {  	[sflag:s28] =	ssyncadd.s32 $0xFFFFF000  }
0x15e: {  	_ =	swait.ge [sflag:s28], $0x1000  }
0x15f: {  	[sflag:s28] =	ssyncset.done $0x0  }
0x160: {  	[sflag:s28] =	ssyncadd.s32 $0xFFFFF000  }
0x161: {  	_ =	swait.ge [sflag:s28], $0x1000  }
0x162: {  	[sflag:s28] =	ssyncset.done $0x0  }
0x163: {  	s12 =	simm.s32 @!p0 $0x4;
	[sflag:s28] =	ssyncadd.s32 $0xFFFFF000  }
0x164: {  	_ =	swait.ge @!p0 [sflag:s12], $0x1000  }
0x165: {  	[sflag:s12] =	ssyncset.done @!p0 $0x0  }
0x166: {  	[sflag:s12] =	ssyncadd.s32 @!p0 $0xFFFFF000  }
0x167: {  	_ =	swait.ge @!p0 [sflag:s12], $0x1000  }
0x168: {  	[sflag:s12] =	ssyncset.done @!p0 $0x0  }
0x169: {  	[sflag:s12] =	ssyncadd.s32 @!p0 $0xFFFFF000  }
0x16a: {  	_ =	swait.ge @!p0 [sflag:s12], $0x1000  }
0x16b: {  	[sflag:s12] =	ssyncset.done @!p0 $0x0  }
0x16c: {  	[sflag:s12] =	ssyncadd.s32 @!p0 $0xFFFFF000  }
0x16d: {  	s16 =	simm.s32 $0x0;
	_ =	swait.ge @!p0 [sflag:s12], $0x1000  }
0x16e: {  	v8 =	vmov s16;
	[sflag:s12] =	ssyncset.done @!p0 $0x0  }
0x16f: {  	v8 =	vand.u32 $0x7C, v8;
	[sflag:s12] =	ssyncadd.s32 @!p0 $0xFFFFF000;
	s12 =	simm.s32 $0xC400  }
0x170: {  	v10 =	vadd.s32 v0, v8;
	v9 =	vld [tilespmem:s12+$0xFFFFE000]  }
0x171: {  	v12 =	vadd.s32 v1, v8;
	v11 =	vld [tilespmem:s12+$0xFFFFE010];
	_ =	sdelay $0x3  }
0x172: {  	[tilespmem:v10+s29+$0x0] =	vst.idx.msk $0xffff, v9  }
0x173: {  	[tilespmem:v12+s29+$0x0] =	vst.idx.msk $0xffff, v11  }
0x174: {  	v10 =	vadd.s32 v2, v8;
	v9 =	vld [tilespmem:s12+$0xFFFFF000]  }
0x175: {  	v52 =	vadd.s32 v3, v8;
	v11 =	vld [tilespmem:s12+$0xFFFFF010];
	_ =	sdelay $0x3  }
0x176: {  	[tilespmem:v10+s29+$0x0] =	vst.idx.msk $0xffff, v9  }
0x177: {  	[tilespmem:v52+s29+$0x0] =	vst.idx.msk $0xffff, v11  }
0x178: {  	v10 =	vadd.s32 v4, v8;
	v9 =	vld [tilespmem:s12+$0x0]  }
0x179: {  	v53 =	vadd.s32 v5, v8;
	v11 =	vld [tilespmem:s12+$0x10];
	_ =	sdelay $0x3  }
0x17a: {  	[tilespmem:v10+s29+$0x0] =	vst.idx.msk $0xffff, v9  }
0x17b: {  	[tilespmem:v53+s29+$0x0] =	vst.idx.msk $0xffff, v11  }
0x17c: {  	v10 =	vadd.s32 v6, v8;
	v9 =	vld [tilespmem:s12+$0x1000]  }
0x17d: {  	v8 =	vadd.s32 v7, v8;
	v11 =	vld [tilespmem:s12+$0x1010];
	_ =	sdelay $0x2  }
0x17e: {  	s17 =	simm.s32 $0x1  }
0x17f: {  	[tilespmem:v10+s29+$0x0] =	vst.idx.msk $0xffff, v9;
	v9 =	vmov s17  }
0x180: {  	[tilespmem:v8+s29+$0x0] =	vst.idx.msk $0xffff, v11;
	v8 =	vand.u32 $0x7D, v9  }
0x181: {  	v9 =	vld [tilespmem:s12+$0xFFFFE020];
	v10 =	vadd.s32 v0, v8  }
0x182: {  	v11 =	vld [tilespmem:s12+$0xFFFFE030];
	v54 =	vadd.s32 v1, v8;
	_ =	sdelay $0x3  }
0x183: {  	[tilespmem:v10+s29+$0x0] =	vst.idx.msk $0xffff, v9  }
0x184: {  	[tilespmem:v54+s29+$0x0] =	vst.idx.msk $0xffff, v11  }
0x185: {  	v10 =	vadd.s32 v2, v8;
	v9 =	vld [tilespmem:s12+$0xFFFFF020]  }
0x186: {  	v55 =	vadd.s32 v3, v8;
	v11 =	vld [tilespmem:s12+$0xFFFFF030];
	_ =	sdelay $0x3  }
0x187: {  	[tilespmem:v10+s29+$0x0] =	vst.idx.msk $0xffff, v9  }
0x188: {  	[tilespmem:v55+s29+$0x0] =	vst.idx.msk $0xffff, v11  }
0x189: {  	v10 =	vadd.s32 v4, v8;
	v9 =	vld [tilespmem:s12+$0x20]  }
0x18a: {  	v56 =	vadd.s32 v5, v8;
	v11 =	vld [tilespmem:s12+$0x30];
	_ =	sdelay $0x3  }
0x18b: {  	[tilespmem:v10+s29+$0x0] =	vst.idx.msk $0xffff, v9  }
0x18c: {  	[tilespmem:v56+s29+$0x0] =	vst.idx.msk $0xffff, v11  }
0x18d: {  	v10 =	vadd.s32 v6, v8;
	v9 =	vld [tilespmem:s12+$0x1020]  }
0x18e: {  	v8 =	vadd.s32 v7, v8;
	v11 =	vld [tilespmem:s12+$0x1030];
	_ =	sdelay $0x2  }
0x18f: {  	s18 =	simm.s32 $0x2  }
0x190: {  	[tilespmem:v10+s29+$0x0] =	vst.idx.msk $0xffff, v9;
	v9 =	vmov s18  }
0x191: {  	[tilespmem:v8+s29+$0x0] =	vst.idx.msk $0xffff, v11;
	v8 =	vand.u32 $0x7E, v9  }
0x192: {  	v9 =	vld [tilespmem:s12+$0xFFFFE040];
	v10 =	vadd.s32 v0, v8  }
0x193: {  	v11 =	vld [tilespmem:s12+$0xFFFFE050];
	v57 =	vadd.s32 v1, v8;
	_ =	sdelay $0x3  }
0x194: {  	[tilespmem:v10+s29+$0x0] =	vst.idx.msk $0xffff, v9  }
0x195: {  	[tilespmem:v57+s29+$0x0] =	vst.idx.msk $0xffff, v11  }
0x196: {  	v10 =	vadd.s32 v2, v8;
	v9 =	vld [tilespmem:s12+$0xFFFFF040]  }
0x197: {  	v58 =	vadd.s32 v3, v8;
	v11 =	vld [tilespmem:s12+$0xFFFFF050];
	_ =	sdelay $0x3  }
0x198: {  	[tilespmem:v10+s29+$0x0] =	vst.idx.msk $0xffff, v9  }
0x199: {  	[tilespmem:v58+s29+$0x0] =	vst.idx.msk $0xffff, v11  }
0x19a: {  	v10 =	vadd.s32 v4, v8;
	v9 =	vld [tilespmem:s12+$0x40]  }
0x19b: {  	v59 =	vadd.s32 v5, v8;
	v11 =	vld [tilespmem:s12+$0x50];
	_ =	sdelay $0x3  }
0x19c: {  	[tilespmem:v10+s29+$0x0] =	vst.idx.msk $0xffff, v9  }
0x19d: {  	[tilespmem:v59+s29+$0x0] =	vst.idx.msk $0xffff, v11  }
0x19e: {  	v10 =	vadd.s32 v6, v8;
	v9 =	vld [tilespmem:s12+$0x1040]  }
0x19f: {  	v8 =	vadd.s32 v7, v8;
	v11 =	vld [tilespmem:s12+$0x1050];
	_ =	sdelay $0x2  }
0x1a0: {  	s19 =	simm.s32 $0x3  }
0x1a1: {  	[tilespmem:v10+s29+$0x0] =	vst.idx.msk $0xffff, v9;
	v9 =	vmov s19  }
0x1a2: {  	[tilespmem:v8+s29+$0x0] =	vst.idx.msk $0xffff, v11;
	v9 =	vand.u32 $0x7F, v9  }
0x1a3: {  	v8 =	vld [tilespmem:s12+$0xFFFFE060];
	v10 =	vadd.s32 v0, v9  }
0x1a4: {  	v11 =	vld [tilespmem:s12+$0xFFFFE070];
	v60 =	vadd.s32 v1, v9;
	_ =	sdelay $0x3  }
0x1a5: {  	[tilespmem:v10+s29+$0x0] =	vst.idx.msk $0xffff, v8  }
0x1a6: {  	[tilespmem:v60+s29+$0x0] =	vst.idx.msk $0xffff, v11  }
0x1a7: {  	v10 =	vadd.s32 v2, v9;
	v8 =	vld [tilespmem:s12+$0xFFFFF060]  }
0x1a8: {  	v61 =	vadd.s32 v3, v9;
	v11 =	vld [tilespmem:s12+$0xFFFFF070];
	_ =	sdelay $0x3  }
0x1a9: {  	[tilespmem:v10+s29+$0x0] =	vst.idx.msk $0xffff, v8  }
0x1aa: {  	[tilespmem:v61+s29+$0x0] =	vst.idx.msk $0xffff, v11  }
0x1ab: {  	v10 =	vadd.s32 v4, v9;
	v8 =	vld [tilespmem:s12+$0x60]  }
0x1ac: {  	v62 =	vadd.s32 v5, v9;
	v11 =	vld [tilespmem:s12+$0x70];
	_ =	sdelay $0x3  }
0x1ad: {  	[tilespmem:v10+s29+$0x0] =	vst.idx.msk $0xffff, v8  }
0x1ae: {  	[tilespmem:v62+s29+$0x0] =	vst.idx.msk $0xffff, v11  }
0x1af: {  	v63 =	vadd.s32 v6, v9;
	v11 =	vld [tilespmem:s12+$0x1060];
	_ =	sdelay $0x1  }
0x1b0: {  	v9 =	vadd.s32 v7, v9;
	v8 =	vld [tilespmem:s12+$0x1070];
	_ =	sdelay $0x1  }
0x1b1: {  	s15 =	simm.s32 $0x4  }
0x1b2: {  	s16 =	simm.s32 $0x8;
	v10 =	vmov s15;
	[tilespmem:v63+s29+$0x0] =	vst.idx.msk $0xffff, v11  }
.LBB2_13:
0x1b3: {  	p0 =	sne.s32 s16, $0x7C  }
0x1b4: {  	v10 =	vand.u32 $0x7C, v10;
	[tilespmem:v9+s29+$0x0] =	vst.idx.msk $0xffff, v8;
	s12 =	sadd.s32 $0x80, s12;
	s17 =	smov.u32 s16;
	s16 =	sadd.s32 $0x4, s16  }
0x1b5: {  	v8 =	vld [tilespmem:s12+$0xFFFFE000];
	v9 =	vadd.s32 v0, v10  }
0x1b6: {  	v12 =	vadd.s32 v1, v10;
	v11 =	vld [tilespmem:s12+$0xFFFFE010];
	_ =	sdelay $0x3  }
0x1b7: {  	[tilespmem:v9+s29+$0x0] =	vst.idx.msk $0xffff, v8  }
0x1b8: {  	[tilespmem:v12+s29+$0x0] =	vst.idx.msk $0xffff, v11  }
0x1b9: {  	v9 =	vadd.s32 v2, v10;
	v8 =	vld [tilespmem:s12+$0xFFFFF000]  }
0x1ba: {  	v12 =	vadd.s32 v3, v10;
	v11 =	vld [tilespmem:s12+$0xFFFFF010];
	_ =	sdelay $0x3  }
0x1bb: {  	[tilespmem:v9+s29+$0x0] =	vst.idx.msk $0xffff, v8  }
0x1bc: {  	[tilespmem:v12+s29+$0x0] =	vst.idx.msk $0xffff, v11  }
0x1bd: {  	v9 =	vadd.s32 v4, v10;
	v8 =	vld [tilespmem:s12+$0x0]  }
0x1be: {  	v12 =	vadd.s32 v5, v10;
	v11 =	vld [tilespmem:s12+$0x10];
	_ =	sdelay $0x3  }
0x1bf: {  	[tilespmem:v9+s29+$0x0] =	vst.idx.msk $0xffff, v8  }
0x1c0: {  	[tilespmem:v12+s29+$0x0] =	vst.idx.msk $0xffff, v11  }
0x1c1: {  	v9 =	vadd.s32 v6, v10;
	v8 =	vld [tilespmem:s12+$0x1000]  }
0x1c2: {  	v10 =	vadd.s32 v7, v10;
	v11 =	vld [tilespmem:s12+$0x1010];
	_ =	sdelay $0x2  }
0x1c3: {  	s18 =	sadd.s32 $0x1, s15  }
0x1c4: {  	[tilespmem:v9+s29+$0x0] =	vst.idx.msk $0xffff, v8;
	v8 =	vmov s18  }
0x1c5: {  	[tilespmem:v10+s29+$0x0] =	vst.idx.msk $0xffff, v11;
	v8 =	vand.u32 $0x7D, v8  }
0x1c6: {  	v9 =	vld [tilespmem:s12+$0xFFFFE020];
	v10 =	vadd.s32 v0, v8  }
0x1c7: {  	v12 =	vadd.s32 v1, v8;
	v11 =	vld [tilespmem:s12+$0xFFFFE030];
	_ =	sdelay $0x3  }
0x1c8: {  	[tilespmem:v10+s29+$0x0] =	vst.idx.msk $0xffff, v9  }
0x1c9: {  	[tilespmem:v12+s29+$0x0] =	vst.idx.msk $0xffff, v11  }
0x1ca: {  	v10 =	vadd.s32 v2, v8;
	v9 =	vld [tilespmem:s12+$0xFFFFF020]  }
0x1cb: {  	v12 =	vadd.s32 v3, v8;
	v11 =	vld [tilespmem:s12+$0xFFFFF030];
	_ =	sdelay $0x3  }
0x1cc: {  	[tilespmem:v10+s29+$0x0] =	vst.idx.msk $0xffff, v9  }
0x1cd: {  	[tilespmem:v12+s29+$0x0] =	vst.idx.msk $0xffff, v11  }
0x1ce: {  	v10 =	vadd.s32 v4, v8;
	v9 =	vld [tilespmem:s12+$0x20]  }
0x1cf: {  	v12 =	vadd.s32 v5, v8;
	v11 =	vld [tilespmem:s12+$0x30];
	_ =	sdelay $0x3  }
0x1d0: {  	[tilespmem:v10+s29+$0x0] =	vst.idx.msk $0xffff, v9  }
0x1d1: {  	[tilespmem:v12+s29+$0x0] =	vst.idx.msk $0xffff, v11  }
0x1d2: {  	v10 =	vadd.s32 v6, v8;
	v9 =	vld [tilespmem:s12+$0x1020]  }
0x1d3: {  	v8 =	vadd.s32 v7, v8;
	v11 =	vld [tilespmem:s12+$0x1030];
	_ =	sdelay $0x2  }
0x1d4: {  	s18 =	sadd.s32 $0x2, s15  }
0x1d5: {  	[tilespmem:v10+s29+$0x0] =	vst.idx.msk $0xffff, v9;
	v9 =	vmov s18  }
0x1d6: {  	[tilespmem:v8+s29+$0x0] =	vst.idx.msk $0xffff, v11;
	v8 =	vand.u32 $0x7E, v9  }
0x1d7: {  	v9 =	vld [tilespmem:s12+$0xFFFFE040];
	v10 =	vadd.s32 v0, v8  }
0x1d8: {  	v12 =	vadd.s32 v1, v8;
	v11 =	vld [tilespmem:s12+$0xFFFFE050];
	_ =	sdelay $0x3  }
0x1d9: {  	[tilespmem:v10+s29+$0x0] =	vst.idx.msk $0xffff, v9  }
0x1da: {  	[tilespmem:v12+s29+$0x0] =	vst.idx.msk $0xffff, v11  }
0x1db: {  	v10 =	vadd.s32 v2, v8;
	v9 =	vld [tilespmem:s12+$0xFFFFF040]  }
0x1dc: {  	v12 =	vadd.s32 v3, v8;
	v11 =	vld [tilespmem:s12+$0xFFFFF050];
	_ =	sdelay $0x3  }
0x1dd: {  	[tilespmem:v10+s29+$0x0] =	vst.idx.msk $0xffff, v9  }
0x1de: {  	[tilespmem:v12+s29+$0x0] =	vst.idx.msk $0xffff, v11  }
0x1df: {  	v10 =	vadd.s32 v4, v8;
	v9 =	vld [tilespmem:s12+$0x40]  }
0x1e0: {  	v12 =	vadd.s32 v5, v8;
	v11 =	vld [tilespmem:s12+$0x50];
	_ =	sdelay $0x3  }
0x1e1: {  	[tilespmem:v10+s29+$0x0] =	vst.idx.msk $0xffff, v9  }
0x1e2: {  	[tilespmem:v12+s29+$0x0] =	vst.idx.msk $0xffff, v11  }
0x1e3: {  	v10 =	vadd.s32 v6, v8;
	v9 =	vld [tilespmem:s12+$0x1040]  }
0x1e4: {  	v8 =	vadd.s32 v7, v8;
	v11 =	vld [tilespmem:s12+$0x1050];
	_ =	sdelay $0x2  }
0x1e5: {  	s18 =	sadd.s32 $0x3, s15;
	s15 =	smov.u32 s17  }
0x1e6: {  	[tilespmem:v10+s29+$0x0] =	vst.idx.msk $0xffff, v9;
	v9 =	vmov s18  }
0x1e7: {  	[tilespmem:v8+s29+$0x0] =	vst.idx.msk $0xffff, v11;
	v9 =	vand.u32 $0x7F, v9  }
0x1e8: {  	v8 =	vld [tilespmem:s12+$0xFFFFE060];
	v10 =	vadd.s32 v0, v9  }
0x1e9: {  	v12 =	vadd.s32 v1, v9;
	v11 =	vld [tilespmem:s12+$0xFFFFE070];
	_ =	sdelay $0x3  }
0x1ea: {  	[tilespmem:v10+s29+$0x0] =	vst.idx.msk $0xffff, v8  }
0x1eb: {  	[tilespmem:v12+s29+$0x0] =	vst.idx.msk $0xffff, v11  }
0x1ec: {  	v10 =	vadd.s32 v2, v9;
	v8 =	vld [tilespmem:s12+$0xFFFFF060]  }
0x1ed: {  	v12 =	vadd.s32 v3, v9;
	v11 =	vld [tilespmem:s12+$0xFFFFF070];
	_ =	sdelay $0x3  }
0x1ee: {  	[tilespmem:v10+s29+$0x0] =	vst.idx.msk $0xffff, v8  }
0x1ef: {  	[tilespmem:v12+s29+$0x0] =	vst.idx.msk $0xffff, v11  }
0x1f0: {  	v10 =	vadd.s32 v4, v9;
	v8 =	vld [tilespmem:s12+$0x60]  }
0x1f1: {  	v12 =	vadd.s32 v5, v9;
	v11 =	vld [tilespmem:s12+$0x70];
	_ =	sdelay $0x3  }
0x1f2: {  	[tilespmem:v10+s29+$0x0] =	vst.idx.msk $0xffff, v8  }
0x1f3: {  	[tilespmem:v12+s29+$0x0] =	vst.idx.msk $0xffff, v11  }
0x1f4: {  	v12 =	vadd.s32 v6, v9;
	v11 =	vld [tilespmem:s12+$0x1060]  }
.Ltmp5:
0x1f5: {  	v9 =	vadd.s32 v7, v9;
	v8 =	vld [tilespmem:s12+$0x1070];
	(pc) =	sbr.rel @p0 .LBB2_13-.Ltmp5, $2  }
0x1f6: {  	_ =	sdelay $0x2  }
0x1f7: {  	v10 =	vmov s15;
	[tilespmem:v12+s29+$0x0] =	vst.idx.msk $0xffff, v11  }
0x1f8: {  	_ =	sdelay $0x3  }
0x1f9: {  	v10 =	vand.u32 $0x7C, v10;
	[tilespmem:v9+s29+$0x0] =	vst.idx.msk $0xffff, v8;
	s12 =	sadd.s32 $0x80, s12  }
0x1fa: {  	v8 =	vld [tilespmem:s12+$0xFFFFE000];
	v33 =	vadd.s32 v0, v10  }
0x1fb: {  	v11 =	vld [tilespmem:s12+$0xFFFFE010];
	v12 =	vadd.s32 v1, v10;
	_ =	sdelay $0x3  }
0x1fc: {  	[tilespmem:v33+s29+$0x0] =	vst.idx.msk $0xffff, v8  }
0x1fd: {  	[tilespmem:v12+s29+$0x0] =	vst.idx.msk $0xffff, v11  }
0x1fe: {  	v34 =	vadd.s32 v2, v10;
	v8 =	vld [tilespmem:s12+$0xFFFFF000]  }
0x1ff: {  	v35 =	vadd.s32 v3, v10;
	v11 =	vld [tilespmem:s12+$0xFFFFF010];
	_ =	sdelay $0x3  }
0x200: {  	[tilespmem:v34+s29+$0x0] =	vst.idx.msk $0xffff, v8  }
0x201: {  	[tilespmem:v35+s29+$0x0] =	vst.idx.msk $0xffff, v11  }
0x202: {  	v36 =	vadd.s32 v4, v10;
	v8 =	vld [tilespmem:s12+$0x0]  }
0x203: {  	v37 =	vadd.s32 v5, v10;
	v11 =	vld [tilespmem:s12+$0x10];
	_ =	sdelay $0x3  }
0x204: {  	[tilespmem:v36+s29+$0x0] =	vst.idx.msk $0xffff, v8  }
0x205: {  	[tilespmem:v37+s29+$0x0] =	vst.idx.msk $0xffff, v11  }
0x206: {  	v38 =	vadd.s32 v6, v10;
	v8 =	vld [tilespmem:s12+$0x1000]  }
0x207: {  	v10 =	vadd.s32 v7, v10;
	v11 =	vld [tilespmem:s12+$0x1010];
	_ =	sdelay $0x2  }
0x208: {  	s16 =	sadd.s32 $0x1, s15  }
0x209: {  	[tilespmem:v38+s29+$0x0] =	vst.idx.msk $0xffff, v8;
	v8 =	vmov s16  }
0x20a: {  	[tilespmem:v10+s29+$0x0] =	vst.idx.msk $0xffff, v11;
	v8 =	vand.u32 $0x7D, v8  }
0x20b: {  	v9 =	vld [tilespmem:s12+$0xFFFFE020];
	v39 =	vadd.s32 v0, v8  }
0x20c: {  	v11 =	vld [tilespmem:s12+$0xFFFFE030];
	v40 =	vadd.s32 v1, v8;
	_ =	sdelay $0x3  }
0x20d: {  	[tilespmem:v39+s29+$0x0] =	vst.idx.msk $0xffff, v9  }
0x20e: {  	[tilespmem:v40+s29+$0x0] =	vst.idx.msk $0xffff, v11  }
0x20f: {  	v41 =	vadd.s32 v2, v8;
	v9 =	vld [tilespmem:s12+$0xFFFFF020]  }
0x210: {  	v42 =	vadd.s32 v3, v8;
	v11 =	vld [tilespmem:s12+$0xFFFFF030];
	_ =	sdelay $0x3  }
0x211: {  	[tilespmem:v41+s29+$0x0] =	vst.idx.msk $0xffff, v9  }
0x212: {  	[tilespmem:v42+s29+$0x0] =	vst.idx.msk $0xffff, v11  }
0x213: {  	v43 =	vadd.s32 v4, v8;
	v9 =	vld [tilespmem:s12+$0x20]  }
0x214: {  	v44 =	vadd.s32 v5, v8;
	v11 =	vld [tilespmem:s12+$0x30];
	_ =	sdelay $0x3  }
0x215: {  	[tilespmem:v43+s29+$0x0] =	vst.idx.msk $0xffff, v9  }
0x216: {  	[tilespmem:v44+s29+$0x0] =	vst.idx.msk $0xffff, v11  }
0x217: {  	v45 =	vadd.s32 v6, v8;
	v9 =	vld [tilespmem:s12+$0x1020]  }
0x218: {  	v8 =	vadd.s32 v7, v8;
	v11 =	vld [tilespmem:s12+$0x1030];
	_ =	sdelay $0x2  }
0x219: {  	s18 =	sadd.s32 $0x2, s15  }
0x21a: {  	v46 =	vmov s18;
	[tilespmem:v45+s29+$0x0] =	vst.idx.msk $0xffff, v9  }
0x21b: {  	[tilespmem:v8+s29+$0x0] =	vst.idx.msk $0xffff, v11;
	v8 =	vand.u32 $0x7E, v46  }
0x21c: {  	v47 =	vld [tilespmem:s12+$0xFFFFE040];
	v48 =	vadd.s32 v0, v8  }
0x21d: {  	v11 =	vld [tilespmem:s12+$0xFFFFE050];
	v49 =	vadd.s32 v1, v8;
	_ =	sdelay $0x3  }
0x21e: {  	[tilespmem:v48+s29+$0x0] =	vst.idx.msk $0xffff, v47  }
0x21f: {  	[tilespmem:v49+s29+$0x0] =	vst.idx.msk $0xffff, v11  }
0x220: {  	v50 =	vadd.s32 v2, v8;
	v9 =	vld [tilespmem:s12+$0xFFFFF040]  }
0x221: {  	v51 =	vadd.s32 v3, v8;
	v11 =	vld [tilespmem:s12+$0xFFFFF050];
	_ =	sdelay $0x3  }
0x222: {  	[tilespmem:v50+s29+$0x0] =	vst.idx.msk $0xffff, v9  }
0x223: {  	[tilespmem:v51+s29+$0x0] =	vst.idx.msk $0xffff, v11  }
0x224: {  	v52 =	vadd.s32 v4, v8;
	v9 =	vld [tilespmem:s12+$0x40]  }
0x225: {  	v53 =	vadd.s32 v5, v8;
	v11 =	vld [tilespmem:s12+$0x50];
	_ =	sdelay $0x3  }
0x226: {  	[tilespmem:v52+s29+$0x0] =	vst.idx.msk $0xffff, v9  }
0x227: {  	[tilespmem:v53+s29+$0x0] =	vst.idx.msk $0xffff, v11  }
0x228: {  	v54 =	vadd.s32 v6, v8;
	v9 =	vld [tilespmem:s12+$0x1040]  }
0x229: {  	v8 =	vadd.s32 v7, v8;
	v11 =	vld [tilespmem:s12+$0x1050];
	_ =	sdelay $0x2  }
0x22a: {  	s19 =	sadd.s32 $0x3, s15  }
0x22b: {  	v55 =	vmov s19;
	[tilespmem:v54+s29+$0x0] =	vst.idx.msk $0xffff, v9  }
0x22c: {  	[tilespmem:v8+s29+$0x0] =	vst.idx.msk $0xffff, v11;
	v8 =	vand.u32 $0x7F, v55  }
0x22d: {  	v56 =	vld [tilespmem:s12+$0xFFFFE060];
	v57 =	vadd.s32 v0, v8  }
0x22e: {  	v11 =	vld [tilespmem:s12+$0xFFFFE070];
	v58 =	vadd.s32 v1, v8;
	_ =	sdelay $0x3  }
0x22f: {  	[tilespmem:v57+s29+$0x0] =	vst.idx.msk $0xffff, v56  }
0x230: {  	[tilespmem:v58+s29+$0x0] =	vst.idx.msk $0xffff, v11  }
0x231: {  	v59 =	vadd.s32 v2, v8;
	v9 =	vld [tilespmem:s12+$0xFFFFF060]  }
0x232: {  	v60 =	vadd.s32 v3, v8;
	v11 =	vld [tilespmem:s12+$0xFFFFF070];
	_ =	sdelay $0x3  }
0x233: {  	[tilespmem:v59+s29+$0x0] =	vst.idx.msk $0xffff, v9  }
0x234: {  	[tilespmem:v60+s29+$0x0] =	vst.idx.msk $0xffff, v11  }
0x235: {  	v61 =	vadd.s32 v4, v8;
	v9 =	vld [tilespmem:s12+$0x60]  }
0x236: {  	v62 =	vadd.s32 v5, v8;
	v11 =	vld [tilespmem:s12+$0x70];
	_ =	sdelay $0x3  }
0x237: {  	[tilespmem:v61+s29+$0x0] =	vst.idx.msk $0xffff, v9  }
0x238: {  	[tilespmem:v62+s29+$0x0] =	vst.idx.msk $0xffff, v11  }
0x239: {  	v63 =	vadd.s32 v6, v8;
	v9 =	vld [tilespmem:s12+$0x1060]  }
0x23a: {  	v8 =	vadd.s32 v7, v8;
	v11 =	vld [tilespmem:s12+$0x1070]  }
0x23b: {  	s11 =	sshll.u32 s11, $0x13  }
0x23c: {  	s11 =	sor.u32 s6, s11  }
0x23d: {  	s11 =	sshrl.u32 s11, $0x3  }
0x23e: {  	s15 =	simm.s32 $0x12800;
	s12 =	sadd.s32 s1, s11;
	[tilespmem:v63+s29+$0x0] =	vst.idx.msk $0xffff, v9  }
0x23f: {  	s17 =	simm.s32 $0x12888;
	s16 =	simm.s32 $0x10;
	s18 =	sadd.s32 $0x0, s12;
	[tilespmem:v8+s29+$0x0] =	vst.idx.msk $0xffff, v11  }
.LBB2_15:
0x240: {  	[hbm4b:s18+s3] =	stream.linear.scatter [tilespmem:s15], [sflag:$0x4], $0x80, $0x38;
	[tilespmem:$0x16C00] =	vst v63  }
0x241: {  	s18 =	smov.u32 s16;
	s15 =	smov.u32 s17;
	p0 =	sne.s32 s16, $0x1F0  }
.Ltmp6:
0x242: {  	s16 =	sadd.s32 $0x10, s16;
	(pc) =	sbr.rel @p0 .LBB2_15-.Ltmp6, $2  }
0x243: {  	_ =	sdelay $0x2  }
0x244: {  	s17 =	sadd.s32 $0x88, s17;
	s18 =	sadd.s32 s18, s12  }
0x245: {  	[hbm4b:s18+s3] =	stream.linear.scatter [tilespmem:s15], [sflag:$0x4], $0x80, $0x38;
	[tilespmem:$0x16C00] =	vst v63  }
0x246: {  	s12 =	sadd.s32 s11, s7;
	s15 =	simm.s32 $0x13900  }
0x247: {  	s16 =	simm.s32 $0x10;
	s17 =	simm.s32 $0x13988;
	s18 =	sadd.s32 $0x0, s12  }
.LBB2_17:
0x248: {  	[hbm4b:s18+s3] =	stream.linear.scatter [tilespmem:s15], [sflag:$0x4], $0x80, $0x38;
	[tilespmem:$0x16C00] =	vst v63  }
0x249: {  	s18 =	smov.u32 s16;
	s15 =	smov.u32 s17;
	p0 =	sne.s32 s16, $0x1F0  }
.Ltmp7:
0x24a: {  	s16 =	sadd.s32 $0x10, s16;
	(pc) =	sbr.rel @p0 .LBB2_17-.Ltmp7, $2  }
0x24b: {  	_ =	sdelay $0x2  }
0x24c: {  	s17 =	sadd.s32 $0x88, s17;
	s18 =	sadd.s32 s18, s12  }
0x24d: {  	[hbm4b:s18+s3] =	stream.linear.scatter [tilespmem:s15], [sflag:$0x4], $0x80, $0x38;
	[tilespmem:$0x16C00] =	vst v63  }
0x24e: {  	s12 =	sadd.s32 s11, s8;
	s15 =	simm.s32 $0x14A00  }
0x24f: {  	s16 =	simm.s32 $0x10;
	s17 =	simm.s32 $0x14A88;
	s18 =	sadd.s32 $0x0, s12  }
.LBB2_19:
0x250: {  	[hbm4b:s18+s3] =	stream.linear.scatter [tilespmem:s15], [sflag:$0x4], $0x80, $0x38;
	[tilespmem:$0x16C00] =	vst v63  }
0x251: {  	s18 =	smov.u32 s16;
	s15 =	smov.u32 s17;
	p0 =	sne.s32 s16, $0x1F0  }
.Ltmp8:
0x252: {  	s16 =	sadd.s32 $0x10, s16;
	(pc) =	sbr.rel @p0 .LBB2_19-.Ltmp8, $2  }
0x253: {  	_ =	sdelay $0x2  }
0x254: {  	s17 =	sadd.s32 $0x88, s17;
	s18 =	sadd.s32 s18, s12  }
0x255: {  	[hbm4b:s18+s3] =	stream.linear.scatter [tilespmem:s15], [sflag:$0x4], $0x80, $0x38;
	[tilespmem:$0x16C00] =	vst v63  }
0x256: {  	s11 =	sadd.s32 s11, s9;
	s12 =	simm.s32 $0x15B00  }
0x257: {  	s15 =	simm.s32 $0x10;
	s16 =	simm.s32 $0x15B88;
	s17 =	sadd.s32 $0x0, s11  }
.LBB2_21:
0x258: {  	[hbm4b:s17+s3] =	stream.linear.scatter [tilespmem:s12], [sflag:$0x4], $0x80, $0x38;
	[tilespmem:$0x16C00] =	vst v63  }
0x259: {  	s17 =	smov.u32 s15;
	s12 =	smov.u32 s16;
	p0 =	sne.s32 s15, $0x1F0  }
.Ltmp9:
0x25a: {  	s15 =	sadd.s32 $0x10, s15;
	(pc) =	sbr.rel @p0 .LBB2_21-.Ltmp9, $2  }
0x25b: {  	_ =	sdelay $0x2  }
0x25c: {  	s16 =	sadd.s32 $0x88, s16;
	s17 =	sadd.s32 s17, s11  }
0x25d: {  	s2 =	sadd.s32 $0x1, s2  }
0x25e: {  	p0 =	sne.s32 s2, $0x19  }
.Ltmp10:
0x25f: {  	_ = 	snop;
	(pc) =	sbr.rel @p0 .LBB2_2-.Ltmp10, $2  }
0x260: {  	_ =	sdelay $0x2  }
0x261: {  	[hbm4b:s17+s3] =	stream.linear.scatter [tilespmem:s12], [sflag:$0x4], $0x80, $0x38;
	[tilespmem:$0x16C00] =	vst v63  }
0x262: {  	_ =	swait.ge [sflag:s30], $0x1000  }
0x263: {  	[sflag:s30] =	ssyncset.done $0x0  }
0x264: {  	[sflag:s30] =	ssyncadd.s32 $0xFFFFF000  }
0x265: {  	_ =	swait.ge [sflag:s30], $0x1000  }
0x266: {  	[sflag:s30] =	ssyncset.done $0x0  }
0x267: {  	[sflag:s30] =	ssyncadd.s32 $0xFFFFF000  }
0x268: {  	_ =	swait.ge [sflag:s30], $0x1000  }
0x269: {  	[sflag:s30] =	ssyncset.done $0x0  }
0x26a: {  	[sflag:s30] =	ssyncadd.s32 $0xFFFFF000  }
0x26b: {  	_ =	swait.ge [sflag:s30], $0x1000  }
0x26c: {  	[sflag:s30] =	ssyncset.done $0x0  }
0x26d: {  	[sflag:s30] =	ssyncadd.s32 $0xFFFFF000  }
0x26e: {  	_ =	swait.ge [sflag:s31], $0x1000  }
0x26f: {  	[sflag:s31] =	ssyncset.done $0x0  }
0x270: {  	[sflag:s31] =	ssyncadd.s32 $0xFFFFF000  }
0x271: {  	_ =	swait.ge [sflag:s31], $0x1000  }
0x272: {  	[sflag:s31] =	ssyncset.done $0x0  }
0x273: {  	s0 =	sadd.s32 $0x1, s0;
	[sflag:s31] =	ssyncadd.s32 $0xFFFFF000  }
0x274: {  	p0 =	sne.s32 s0, s10;
	_ =	swait.ge [sflag:s31], $0x1000  }
.Ltmp11:
0x275: {  	[sflag:s31] =	ssyncset.done $0x0;
	(pc) =	sbr.rel @p0 .LBB2_1-.Ltmp11, $4  }
0x276: {  	[sflag:s31] =	ssyncadd.s32 $0xFFFFF000  }
0x277: {  	_ =	swait.ge [sflag:s31], $0x1000  }
0x278: {  	[sflag:s31] =	ssyncset.done $0x0  }
0x279: {  	[sflag:s31] =	ssyncadd.s32 $0xFFFFF000  }
0x27a: {  	_ =	sfence.sel $0x180000  }
0x27b: {  	[bflag:$0x0] =	sbarrier.arrive $0xFFFF  }
0x27c: {  	_ =	strace $0x90000047  }
0x27d: {  	s0 =	stileid.u32;
	[bflag:$0x2] =	sbarrier.arrive $0xFFFF  }
0x27e: {  	p0 =	sne.s32 s0, $0x0;
	s0 =	rddreg [dreg:$0x2]  }
0x27f: {  	s0 =	sadd.s32 @!p0 $0x100000, s0  }
0x280: {  	[sflag:s0] =	ssyncadd.tile.s32 @!p0 $0x1;
	_ =	shalt  }
.Lfunc_end2:
_tile_overlayer_lowered:
.L_overlay_start_2:
0x281: {  	(tag) =	ssettag $0x2  }
0x282: {  	s0 =	rddreg [dreg:$0x0];
	s2 =	stileid.u32  }
0x283: {  	s1 =	rddreg [dreg:$0x1];
	p0 =	sne.s32 s2, $0x0  }
0x284: {  	s3 =	rddreg [dreg:$0x2];
	[bflag:$0x3] =	sbarrier.arrive $0xFFFF;
	s2 =	simm.s32 @!p0 $0x1C05  }
0x285: {  	[timem:s3], [sflag:s2] =	dma.local @!p0 [hbm:s0], s1  }
0x286: {  	s0 =	simm.s32 @!p0 $0x5  }
0x287: {  	_ =	swait.ge @!p0 [sflag:s0], s1  }
0x288: {  	s1 =	ssub.s32 @!p0 $0x0, s1;
	[sflag:s0] =	ssyncset.done @!p0 $0x0  }
0x289: {  	[sflag:s0] =	ssyncadd.s32 @!p0 s1  }
0x28a: {  	[bflag:$0x3] =	sbarrier.arrive $0xFFFF  }
0x28b: {  	_ =	shalt  }

</sc_bundles>
